<compile_context>
chip_gen: v7x
topology: tpu7x:2x2x1
jax: 0.10.2.dev20260603
libtpu: 0.0.44.dev20260713+nightly
codegen_flags: <defaults>
</compile_context>

<pallas_src>
import functools

import jax
import jax.numpy as jnp
from jax import lax
from jax.experimental import pallas as pl
from jax.experimental.pallas import tpu as pltpu
from jax.experimental.pallas import tpu_sc as plsc

FEAT = 128
BATCH = 16384
MOM = 0.3
HALF = BATCH // 2

_info = plsc.get_sparse_core_info()
_NC, _NS = _info.num_cores, _info.num_subcores
_NW = _NC * _NS
_B_PER_W = HALF // _NW
_CHUNK = 128


def _sc_gather_body(half_off, idx_hbm, mu_hbm, tau_hbm, mu_out, tau_out,
                    idx0, idx1, mu_a, tau_a, mu_b, tau_b,
                    sem_ga, sem_gb, sem_s):
    wid = lax.axis_index("s") * _NC + lax.axis_index("c")
    base = wid * _B_PER_W
    src = half_off + base
    i0 = pltpu.async_copy(idx_hbm.at[pl.ds(src, _CHUNK)], idx0, sem_s)
    i1 = pltpu.async_copy(idx_hbm.at[pl.ds(src + _CHUNK, _CHUNK)], idx1, sem_s)
    i0.wait()
    g0m = pltpu.async_copy(mu_hbm.at[idx0], mu_a, sem_ga)
    g0t = pltpu.async_copy(tau_hbm.at[idx0], tau_a, sem_ga)
    i1.wait()
    g1m = pltpu.async_copy(mu_hbm.at[idx1], mu_b, sem_gb)
    g1t = pltpu.async_copy(tau_hbm.at[idx1], tau_b, sem_gb)
    g0m.wait(); g0t.wait()
    s0m = pltpu.async_copy(mu_a, mu_out.at[pl.ds(base, _CHUNK)], sem_s)
    s0t = pltpu.async_copy(tau_a, tau_out.at[pl.ds(base, _CHUNK)], sem_s)
    g1m.wait(); g1t.wait()
    s1m = pltpu.async_copy(mu_b, mu_out.at[pl.ds(base + _CHUNK, _CHUNK)], sem_s)
    s1t = pltpu.async_copy(tau_b, tau_out.at[pl.ds(base + _CHUNK, _CHUNK)], sem_s)
    s0m.wait(); s0t.wait(); s1m.wait(); s1t.wait()


def _make_sc_gather(half_off):
    return functools.partial(
        pl.kernel,
        mesh=plsc.VectorSubcoreMesh(core_axis_name="c", subcore_axis_name="s"),
        out_type=[
            jax.ShapeDtypeStruct((HALF, FEAT), jnp.float32),
            jax.ShapeDtypeStruct((HALF, FEAT), jnp.float32),
        ],
        scratch_types=[
            pltpu.VMEM((_CHUNK,), jnp.int32),
            pltpu.VMEM((_CHUNK,), jnp.int32),
            pltpu.VMEM((_CHUNK, FEAT), jnp.float32),
            pltpu.VMEM((_CHUNK, FEAT), jnp.float32),
            pltpu.VMEM((_CHUNK, FEAT), jnp.float32),
            pltpu.VMEM((_CHUNK, FEAT), jnp.float32),
            pltpu.SemaphoreType.DMA,
            pltpu.SemaphoreType.DMA,
            pltpu.SemaphoreType.DMA,
        ],
    )(functools.partial(_sc_gather_body, half_off))


_sc_gather_h0 = _make_sc_gather(0)
_sc_gather_h1 = _make_sc_gather(HALF)

_BLK = 4096
_HBLKS = HALF // _BLK


def _tc_norm0_body(z_ref, mu_ref, tau_ref, o_ref):
    z = z_ref[...]
    sigma = jnp.log1p(jnp.exp(tau_ref[...]))
    z_hat = (z - mu_ref[...]) / sigma
    o_ref[...] = (1.0 - MOM) * z_hat + MOM * z


def _tc_norm1_body(z_ref, mu_ref, tau_ref, prev_ref, o_ref):
    _tc_norm0_body(z_ref, mu_ref, tau_ref, o_ref)


def _tc_norm0(z, mu_a, tau_a):
    half_spec = pl.BlockSpec((_BLK, FEAT), lambda i: (i, 0))
    return pl.pallas_call(
        _tc_norm0_body,
        grid=(_HBLKS,),
        in_specs=[half_spec, half_spec, half_spec],
        out_specs=half_spec,
        out_shape=jax.ShapeDtypeStruct((BATCH, FEAT), jnp.float32),
    )(z, mu_a, tau_a)


def _tc_norm1(z, mu_a, tau_a, prev):
    half_spec = pl.BlockSpec((_BLK, FEAT), lambda i: (i, 0))
    off_spec = pl.BlockSpec((_BLK, FEAT), lambda i: (i + _HBLKS, 0))
    any_spec = pl.BlockSpec(memory_space=pl.ANY)
    return pl.pallas_call(
        _tc_norm1_body,
        grid=(_HBLKS,),
        in_specs=[off_spec, half_spec, half_spec, any_spec],
        out_specs=off_spec,
        out_shape=jax.ShapeDtypeStruct((BATCH, FEAT), jnp.float32),
        input_output_aliases={3: 0},
    )(z, mu_a, tau_a, prev)


def kernel(z, a, mu, tau):
    a32 = a.astype(jnp.int32)
    mu_a0, tau_a0 = _sc_gather_h0(a32, mu, tau)
    mu_a1, tau_a1 = _sc_gather_h1(a32, mu, tau)
    out = _tc_norm0(z, mu_a0, tau_a0)
    out = _tc_norm1(z, mu_a1, tau_a1, out)
    return out

# --- scband reference (transcript-rebuilt; emitter-appended) ---
"""Pipeline reference for scband-fair-identity-normalization-20478404067337 (READ-ONLY COPY).

The authoritative reference and input builder live on the scoring server;
editing this copy changes nothing except your own understanding.
"""

import jax, jax.numpy as jnp
import numpy as np

FEATURE_DIM = 128
NUM_IDENTITIES = 100000
MOMENTUM = 0.3
BATCH = 16384


def setup_inputs(seed: int = 0) -> dict:
    key = jax.random.key(seed)
    k1, k2, k3, k4 = jax.random.split(key, 4)
    z = jax.random.normal(k1, (BATCH, FEATURE_DIM), dtype=jnp.float32)
    a = jax.random.randint(k2, (BATCH,), 0, NUM_IDENTITIES, dtype=jnp.int64)
    mu = jax.random.normal(k3, (NUM_IDENTITIES, FEATURE_DIM), dtype=jnp.float32)
    tau = jax.random.normal(k4, (NUM_IDENTITIES, FEATURE_DIM), dtype=jnp.float32)
    return {"z": z, "a": a, "mu": mu, "tau": tau}


def reference(z, a, mu, tau):
    # sigma = softplus(tau), computed only on the gathered rows is NOT faithful;
    # the torch module computes log1p(exp(tau)) on the full table then gathers.
    sigma = jnp.log1p(jnp.exp(tau))
    mu_a = jnp.take(mu, a, axis=0)
    sigma_a = jnp.take(sigma, a, axis=0)
    z_hat = (z - mu_a) / sigma_a
    z_final = (1.0 - MOMENTUM) * z_hat + MOMENTUM * z
    return z_final

if __name__ == "__main__":
    import jax
    _d = setup_inputs()
    print(jax.jit(kernel)(*tuple(_d.values())))

</pallas_src>

<mosaic_0001>
#map = affine_map<(d0, d1) -> (0)>
#map1 = affine_map<(d0, d1) -> (0, 0)>
module attributes {stable_mosaic.version = 14 : i64} {
  func.func @_sc_gather_body(%arg0: i32, %arg1: i32, %arg2: memref<16384xi32, #tpu.memory_space<hbm>>, %arg3: memref<100000x128xf32, #tpu.memory_space<hbm>>, %arg4: memref<100000x128xf32, #tpu.memory_space<hbm>>, %arg5: memref<8192x128xf32, #tpu.memory_space<hbm>>, %arg6: memref<8192x128xf32, #tpu.memory_space<hbm>>, %arg7: memref<128xi32, #tpu.memory_space<vmem>>, %arg8: memref<128xi32, #tpu.memory_space<vmem>>, %arg9: memref<128x128xf32, #tpu.memory_space<vmem>>, %arg10: memref<128x128xf32, #tpu.memory_space<vmem>>, %arg11: memref<128x128xf32, #tpu.memory_space<vmem>>, %arg12: memref<128x128xf32, #tpu.memory_space<vmem>>, %arg13: memref<!tpu.dma_semaphore, #tpu.memory_space<semaphore_mem>>, %arg14: memref<!tpu.dma_semaphore, #tpu.memory_space<semaphore_mem>>, %arg15: memref<!tpu.dma_semaphore, #tpu.memory_space<semaphore_mem>>) attributes {dimension_semantics = [#tpu.dimension_semantics<core_parallel>, #tpu.dimension_semantics<subcore_parallel>], iteration_bounds = array<i64: 2, 16>, scalar_prefetch = 0 : i64, scratch_operands = 9 : i64, tpu.core_type = #tpu.core_type<sc_vector_subcore>, window_params = [{transform_indices = #map}, {transform_indices = #map1}, {transform_indices = #map1}, {transform_indices = #map1}, {transform_indices = #map1}]} {
    %mul3A = arith.constant 2 : i32
    %mul3A_0 = arith.muli %arg1, %mul3A : i32
    %add3A = arith.addi %mul3A_0, %arg0 : i32
    %mul3A_1 = arith.constant 256 : i32
    %mul3A_2 = arith.muli %add3A, %mul3A_1 : i32
    %add3A_3 = arith.constant 8192 : i32
    %add3A_4 = arith.addi %add3A_3, %mul3A_2 : i32
    %dma_start3A = tpu.memref_slice %arg2[%add3A_4] : memref<16384xi32, #tpu.memory_space<hbm>> -> memref<128xi32, #tpu.memory_space<hbm>>
    %dma_start3A_5 = tpu.memref_slice %arg2[%add3A_4] : memref<16384xi32, #tpu.memory_space<hbm>> -> memref<128xi32, #tpu.memory_space<hbm>>
    tpu.enqueue_dma source(%dma_start3A_5 : memref<128xi32, #tpu.memory_space<hbm>>) target(%arg7 : memref<128xi32, #tpu.memory_space<vmem>>) target_semaphore(%arg15 : memref<!tpu.dma_semaphore, #tpu.memory_space<semaphore_mem>>)
    %add3A_6 = arith.constant 128 : i32
    %add3A_7 = arith.addi %add3A_4, %add3A_6 : i32
    %dma_start3A_8 = tpu.memref_slice %arg2[%add3A_7] : memref<16384xi32, #tpu.memory_space<hbm>> -> memref<128xi32, #tpu.memory_space<hbm>>
    %dma_start3A_9 = tpu.memref_slice %arg2[%add3A_7] : memref<16384xi32, #tpu.memory_space<hbm>> -> memref<128xi32, #tpu.memory_space<hbm>>
    tpu.enqueue_dma source(%dma_start3A_9 : memref<128xi32, #tpu.memory_space<hbm>>) target(%arg8 : memref<128xi32, #tpu.memory_space<vmem>>) target_semaphore(%arg15 : memref<!tpu.dma_semaphore, #tpu.memory_space<semaphore_mem>>)
    %dma_wait3A = tpu.memref_slice %arg2[%add3A_4] : memref<16384xi32, #tpu.memory_space<hbm>> -> memref<128xi32, #tpu.memory_space<hbm>>
    %dma_wait3A_10 = tpu.memref_slice %arg2[%add3A_4] : memref<16384xi32, #tpu.memory_space<hbm>> -> memref<128xi32, #tpu.memory_space<hbm>>
    tpu.wait_dma2 semaphore(%arg15 : memref<!tpu.dma_semaphore, #tpu.memory_space<semaphore_mem>>) src(%dma_wait3A_10 : memref<128xi32, #tpu.memory_space<hbm>>) dst(%arg7 : memref<128xi32, #tpu.memory_space<vmem>>)
    %dma_start3A_11 = arith.constant 0 : i32
    %dma_start3A_12 = arith.constant 0 : i32
    %dma_start3A_13 = tpu.memref_slice %arg3[%dma_start3A_11, %dma_start3A_12] : memref<100000x128xf32, #tpu.memory_space<hbm>> -> memref<100000x128xf32, #tpu.memory_space<hbm>>
    tpu.enqueue_indirect_dma source(%dma_start3A_13 : memref<100000x128xf32, #tpu.memory_space<hbm>>) target(%arg9 : memref<128x128xf32, #tpu.memory_space<vmem>>) offsets(%arg7 : memref<128xi32, #tpu.memory_space<vmem>>) semaphore(%arg13 : memref<!tpu.dma_semaphore, #tpu.memory_space<semaphore_mem>>)
    %dma_start3A_14 = arith.constant 0 : i32
    %dma_start3A_15 = arith.constant 0 : i32
    %dma_start3A_16 = tpu.memref_slice %arg4[%dma_start3A_14, %dma_start3A_15] : memref<100000x128xf32, #tpu.memory_space<hbm>> -> memref<100000x128xf32, #tpu.memory_space<hbm>>
    tpu.enqueue_indirect_dma source(%dma_start3A_16 : memref<100000x128xf32, #tpu.memory_space<hbm>>) target(%arg10 : memref<128x128xf32, #tpu.memory_space<vmem>>) offsets(%arg7 : memref<128xi32, #tpu.memory_space<vmem>>) semaphore(%arg13 : memref<!tpu.dma_semaphore, #tpu.memory_space<semaphore_mem>>)
    %dma_wait3A_17 = tpu.memref_slice %arg2[%add3A_7] : memref<16384xi32, #tpu.memory_space<hbm>> -> memref<128xi32, #tpu.memory_space<hbm>>
    %dma_wait3A_18 = tpu.memref_slice %arg2[%add3A_7] : memref<16384xi32, #tpu.memory_space<hbm>> -> memref<128xi32, #tpu.memory_space<hbm>>
    tpu.wait_dma2 semaphore(%arg15 : memref<!tpu.dma_semaphore, #tpu.memory_space<semaphore_mem>>) src(%dma_wait3A_18 : memref<128xi32, #tpu.memory_space<hbm>>) dst(%arg8 : memref<128xi32, #tpu.memory_space<vmem>>)
    %dma_start3A_19 = arith.constant 0 : i32
    %dma_start3A_20 = arith.constant 0 : i32
    %dma_start3A_21 = tpu.memref_slice %arg3[%dma_start3A_19, %dma_start3A_20] : memref<100000x128xf32, #tpu.memory_space<hbm>> -> memref<100000x128xf32, #tpu.memory_space<hbm>>
    tpu.enqueue_indirect_dma source(%dma_start3A_21 : memref<100000x128xf32, #tpu.memory_space<hbm>>) target(%arg11 : memref<128x128xf32, #tpu.memory_space<vmem>>) offsets(%arg8 : memref<128xi32, #tpu.memory_space<vmem>>) semaphore(%arg14 : memref<!tpu.dma_semaphore, #tpu.memory_space<semaphore_mem>>)
    %dma_start3A_22 = arith.constant 0 : i32
    %dma_start3A_23 = arith.constant 0 : i32
    %dma_start3A_24 = tpu.memref_slice %arg4[%dma_start3A_22, %dma_start3A_23] : memref<100000x128xf32, #tpu.memory_space<hbm>> -> memref<100000x128xf32, #tpu.memory_space<hbm>>
    tpu.enqueue_indirect_dma source(%dma_start3A_24 : memref<100000x128xf32, #tpu.memory_space<hbm>>) target(%arg12 : memref<128x128xf32, #tpu.memory_space<vmem>>) offsets(%arg8 : memref<128xi32, #tpu.memory_space<vmem>>) semaphore(%arg14 : memref<!tpu.dma_semaphore, #tpu.memory_space<semaphore_mem>>)
    %dma_wait3A_25 = arith.constant 0 : i32
    %dma_wait3A_26 = arith.constant 0 : i32
    %dma_wait3A_27 = tpu.memref_slice %arg3[%dma_wait3A_25, %dma_wait3A_26] : memref<100000x128xf32, #tpu.memory_space<hbm>> -> memref<100000x128xf32, #tpu.memory_space<hbm>>
    tpu.wait_indirect_dma semaphore(%arg13 : memref<!tpu.dma_semaphore, #tpu.memory_space<semaphore_mem>>) src(%dma_wait3A_27 : memref<100000x128xf32, #tpu.memory_space<hbm>>) dst(%arg9 : memref<128x128xf32, #tpu.memory_space<vmem>>)
    %dma_wait3A_28 = arith.constant 0 : i32
    %dma_wait3A_29 = arith.constant 0 : i32
    %dma_wait3A_30 = tpu.memref_slice %arg4[%dma_wait3A_28, %dma_wait3A_29] : memref<100000x128xf32, #tpu.memory_space<hbm>> -> memref<100000x128xf32, #tpu.memory_space<hbm>>
    tpu.wait_indirect_dma semaphore(%arg13 : memref<!tpu.dma_semaphore, #tpu.memory_space<semaphore_mem>>) src(%dma_wait3A_30 : memref<100000x128xf32, #tpu.memory_space<hbm>>) dst(%arg10 : memref<128x128xf32, #tpu.memory_space<vmem>>)
    %dma_start3A_31 = arith.constant 0 : i32
    %dma_start3A_32 = tpu.memref_slice %arg5[%mul3A_2, %dma_start3A_31] : memref<8192x128xf32, #tpu.memory_space<hbm>> -> memref<128x128xf32, #tpu.memory_space<hbm>>
    %dma_start3A_33 = arith.constant 0 : i32
    %dma_start3A_34 = tpu.memref_slice %arg5[%mul3A_2, %dma_start3A_33] : memref<8192x128xf32, #tpu.memory_space<hbm>> -> memref<128x128xf32, #tpu.memory_space<hbm>>
    tpu.enqueue_dma source(%arg9 : memref<128x128xf32, #tpu.memory_space<vmem>>) target(%dma_start3A_34 : memref<128x128xf32, #tpu.memory_space<hbm>>) target_semaphore(%arg15 : memref<!tpu.dma_semaphore, #tpu.memory_space<semaphore_mem>>)
    %dma_start3A_35 = arith.constant 0 : i32
    %dma_start3A_36 = tpu.memref_slice %arg6[%mul3A_2, %dma_start3A_35] : memref<8192x128xf32, #tpu.memory_space<hbm>> -> memref<128x128xf32, #tpu.memory_space<hbm>>
    %dma_start3A_37 = arith.constant 0 : i32
    %dma_start3A_38 = tpu.memref_slice %arg6[%mul3A_2, %dma_start3A_37] : memref<8192x128xf32, #tpu.memory_space<hbm>> -> memref<128x128xf32, #tpu.memory_space<hbm>>
    tpu.enqueue_dma source(%arg10 : memref<128x128xf32, #tpu.memory_space<vmem>>) target(%dma_start3A_38 : memref<128x128xf32, #tpu.memory_space<hbm>>) target_semaphore(%arg15 : memref<!tpu.dma_semaphore, #tpu.memory_space<semaphore_mem>>)
    %dma_wait3A_39 = arith.constant 0 : i32
    %dma_wait3A_40 = arith.constant 0 : i32
    %dma_wait3A_41 = tpu.memref_slice %arg3[%dma_wait3A_39, %dma_wait3A_40] : memref<100000x128xf32, #tpu.memory_space<hbm>> -> memref<100000x128xf32, #tpu.memory_space<hbm>>
    tpu.wait_indirect_dma semaphore(%arg14 : memref<!tpu.dma_semaphore, #tpu.memory_space<semaphore_mem>>) src(%dma_wait3A_41 : memref<100000x128xf32, #tpu.memory_space<hbm>>) dst(%arg11 : memref<128x128xf32, #tpu.memory_space<vmem>>)
    %dma_wait3A_42 = arith.constant 0 : i32
    %dma_wait3A_43 = arith.constant 0 : i32
    %dma_wait3A_44 = tpu.memref_slice %arg4[%dma_wait3A_42, %dma_wait3A_43] : memref<100000x128xf32, #tpu.memory_space<hbm>> -> memref<100000x128xf32, #tpu.memory_space<hbm>>
    tpu.wait_indirect_dma semaphore(%arg14 : memref<!tpu.dma_semaphore, #tpu.memory_space<semaphore_mem>>) src(%dma_wait3A_44 : memref<100000x128xf32, #tpu.memory_space<hbm>>) dst(%arg12 : memref<128x128xf32, #tpu.memory_space<vmem>>)
    %add3A_45 = arith.constant 128 : i32
    %add3A_46 = arith.addi %mul3A_2, %add3A_45 : i32
    %dma_start3A_47 = arith.constant 0 : i32
    %dma_start3A_48 = tpu.memref_slice %arg5[%add3A_46, %dma_start3A_47] : memref<8192x128xf32, #tpu.memory_space<hbm>> -> memref<128x128xf32, #tpu.memory_space<hbm>>
    %dma_start3A_49 = arith.constant 0 : i32
    %dma_start3A_50 = tpu.memref_slice %arg5[%add3A_46, %dma_start3A_49] : memref<8192x128xf32, #tpu.memory_space<hbm>> -> memref<128x128xf32, #tpu.memory_space<hbm>>
    tpu.enqueue_dma source(%arg11 : memref<128x128xf32, #tpu.memory_space<vmem>>) target(%dma_start3A_50 : memref<128x128xf32, #tpu.memory_space<hbm>>) target_semaphore(%arg15 : memref<!tpu.dma_semaphore, #tpu.memory_space<semaphore_mem>>)
    %add3A_51 = arith.constant 128 : i32
    %add3A_52 = arith.addi %mul3A_2, %add3A_51 : i32
    %dma_start3A_53 = arith.constant 0 : i32
    %dma_start3A_54 = tpu.memref_slice %arg6[%add3A_52, %dma_start3A_53] : memref<8192x128xf32, #tpu.memory_space<hbm>> -> memref<128x128xf32, #tpu.memory_space<hbm>>
    %dma_start3A_55 = arith.constant 0 : i32
    %dma_start3A_56 = tpu.memref_slice %arg6[%add3A_52, %dma_start3A_55] : memref<8192x128xf32, #tpu.memory_space<hbm>> -> memref<128x128xf32, #tpu.memory_space<hbm>>
    tpu.enqueue_dma source(%arg12 : memref<128x128xf32, #tpu.memory_space<vmem>>) target(%dma_start3A_56 : memref<128x128xf32, #tpu.memory_space<hbm>>) target_semaphore(%arg15 : memref<!tpu.dma_semaphore, #tpu.memory_space<semaphore_mem>>)
    %dma_wait3A_57 = arith.constant 0 : i32
    %dma_wait3A_58 = tpu.memref_slice %arg5[%mul3A_2, %dma_wait3A_57] : memref<8192x128xf32, #tpu.memory_space<hbm>> -> memref<128x128xf32, #tpu.memory_space<hbm>>
    %dma_wait3A_59 = arith.constant 0 : i32
    %dma_wait3A_60 = tpu.memref_slice %arg5[%mul3A_2, %dma_wait3A_59] : memref<8192x128xf32, #tpu.memory_space<hbm>> -> memref<128x128xf32, #tpu.memory_space<hbm>>
    tpu.wait_dma2 semaphore(%arg15 : memref<!tpu.dma_semaphore, #tpu.memory_space<semaphore_mem>>) src(%arg9 : memref<128x128xf32, #tpu.memory_space<vmem>>) dst(%dma_wait3A_60 : memref<128x128xf32, #tpu.memory_space<hbm>>)
    %dma_wait3A_61 = arith.constant 0 : i32
    %dma_wait3A_62 = tpu.memref_slice %arg6[%mul3A_2, %dma_wait3A_61] : memref<8192x128xf32, #tpu.memory_space<hbm>> -> memref<128x128xf32, #tpu.memory_space<hbm>>
    %dma_wait3A_63 = arith.constant 0 : i32
    %dma_wait3A_64 = tpu.memref_slice %arg6[%mul3A_2, %dma_wait3A_63] : memref<8192x128xf32, #tpu.memory_space<hbm>> -> memref<128x128xf32, #tpu.memory_space<hbm>>
    tpu.wait_dma2 semaphore(%arg15 : memref<!tpu.dma_semaphore, #tpu.memory_space<semaphore_mem>>) src(%arg10 : memref<128x128xf32, #tpu.memory_space<vmem>>) dst(%dma_wait3A_64 : memref<128x128xf32, #tpu.memory_space<hbm>>)
    %dma_wait3A_65 = arith.constant 0 : i32
    %dma_wait3A_66 = tpu.memref_slice %arg5[%add3A_46, %dma_wait3A_65] : memref<8192x128xf32, #tpu.memory_space<hbm>> -> memref<128x128xf32, #tpu.memory_space<hbm>>
    %dma_wait3A_67 = arith.constant 0 : i32
    %dma_wait3A_68 = tpu.memref_slice %arg5[%add3A_46, %dma_wait3A_67] : memref<8192x128xf32, #tpu.memory_space<hbm>> -> memref<128x128xf32, #tpu.memory_space<hbm>>
    tpu.wait_dma2 semaphore(%arg15 : memref<!tpu.dma_semaphore, #tpu.memory_space<semaphore_mem>>) src(%arg11 : memref<128x128xf32, #tpu.memory_space<vmem>>) dst(%dma_wait3A_68 : memref<128x128xf32, #tpu.memory_space<hbm>>)
    %dma_wait3A_69 = arith.constant 0 : i32
    %dma_wait3A_70 = tpu.memref_slice %arg6[%add3A_52, %dma_wait3A_69] : memref<8192x128xf32, #tpu.memory_space<hbm>> -> memref<128x128xf32, #tpu.memory_space<hbm>>
    %dma_wait3A_71 = arith.constant 0 : i32
    %dma_wait3A_72 = tpu.memref_slice %arg6[%add3A_52, %dma_wait3A_71] : memref<8192x128xf32, #tpu.memory_space<hbm>> -> memref<128x128xf32, #tpu.memory_space<hbm>>
    tpu.wait_dma2 semaphore(%arg15 : memref<!tpu.dma_semaphore, #tpu.memory_space<semaphore_mem>>) src(%arg12 : memref<128x128xf32, #tpu.memory_space<vmem>>) dst(%dma_wait3A_72 : memref<128x128xf32, #tpu.memory_space<hbm>>)
    return
  }
}

#map = affine_map<(d0, d1) -> (0)>
#map1 = affine_map<(d0, d1) -> (0, 0)>
module attributes {stable_mosaic.version = 14 : i64} {
  func.func @_sc_gather_body(%arg0: i32, %arg1: i32, %arg2: memref<16384xi32, #tpu.memory_space<hbm>>, %arg3: memref<100000x128xf32, #tpu.memory_space<hbm>>, %arg4: memref<100000x128xf32, #tpu.memory_space<hbm>>, %arg5: memref<8192x128xf32, #tpu.memory_space<hbm>>, %arg6: memref<8192x128xf32, #tpu.memory_space<hbm>>, %arg7: memref<128xi32, #tpu.memory_space<vmem>>, %arg8: memref<128xi32, #tpu.memory_space<vmem>>, %arg9: memref<128x128xf32, #tpu.memory_space<vmem>>, %arg10: memref<128x128xf32, #tpu.memory_space<vmem>>, %arg11: memref<128x128xf32, #tpu.memory_space<vmem>>, %arg12: memref<128x128xf32, #tpu.memory_space<vmem>>, %arg13: memref<!tpu.dma_semaphore, #tpu.memory_space<semaphore_mem>>, %arg14: memref<!tpu.dma_semaphore, #tpu.memory_space<semaphore_mem>>, %arg15: memref<!tpu.dma_semaphore, #tpu.memory_space<semaphore_mem>>) attributes {dimension_semantics = [#tpu.dimension_semantics<core_parallel>, #tpu.dimension_semantics<subcore_parallel>], iteration_bounds = array<i64: 2, 16>, scalar_prefetch = 0 : i64, scratch_operands = 9 : i64, tpu.core_type = #tpu.core_type<sc_vector_subcore>, window_params = [{transform_indices = #map}, {transform_indices = #map1}, {transform_indices = #map1}, {transform_indices = #map1}, {transform_indices = #map1}]} {
    %mul3A = arith.constant 2 : i32
    %mul3A_0 = arith.muli %arg1, %mul3A : i32
    %add3A = arith.addi %mul3A_0, %arg0 : i32
    %mul3A_1 = arith.constant 256 : i32
    %mul3A_2 = arith.muli %add3A, %mul3A_1 : i32
    %add3A_3 = arith.constant 0 : i32
    %add3A_4 = arith.addi %add3A_3, %mul3A_2 : i32
    %dma_start3A = tpu.memref_slice %arg2[%add3A_4] : memref<16384xi32, #tpu.memory_space<hbm>> -> memref<128xi32, #tpu.memory_space<hbm>>
    %dma_start3A_5 = tpu.memref_slice %arg2[%add3A_4] : memref<16384xi32, #tpu.memory_space<hbm>> -> memref<128xi32, #tpu.memory_space<hbm>>
    tpu.enqueue_dma source(%dma_start3A_5 : memref<128xi32, #tpu.memory_space<hbm>>) target(%arg7 : memref<128xi32, #tpu.memory_space<vmem>>) target_semaphore(%arg15 : memref<!tpu.dma_semaphore, #tpu.memory_space<semaphore_mem>>)
    %add3A_6 = arith.constant 128 : i32
    %add3A_7 = arith.addi %add3A_4, %add3A_6 : i32
    %dma_start3A_8 = tpu.memref_slice %arg2[%add3A_7] : memref<16384xi32, #tpu.memory_space<hbm>> -> memref<128xi32, #tpu.memory_space<hbm>>
    %dma_start3A_9 = tpu.memref_slice %arg2[%add3A_7] : memref<16384xi32, #tpu.memory_space<hbm>> -> memref<128xi32, #tpu.memory_space<hbm>>
    tpu.enqueue_dma source(%dma_start3A_9 : memref<128xi32, #tpu.memory_space<hbm>>) target(%arg8 : memref<128xi32, #tpu.memory_space<vmem>>) target_semaphore(%arg15 : memref<!tpu.dma_semaphore, #tpu.memory_space<semaphore_mem>>)
    %dma_wait3A = tpu.memref_slice %arg2[%add3A_4] : memref<16384xi32, #tpu.memory_space<hbm>> -> memref<128xi32, #tpu.memory_space<hbm>>
    %dma_wait3A_10 = tpu.memref_slice %arg2[%add3A_4] : memref<16384xi32, #tpu.memory_space<hbm>> -> memref<128xi32, #tpu.memory_space<hbm>>
    tpu.wait_dma2 semaphore(%arg15 : memref<!tpu.dma_semaphore, #tpu.memory_space<semaphore_mem>>) src(%dma_wait3A_10 : memref<128xi32, #tpu.memory_space<hbm>>) dst(%arg7 : memref<128xi32, #tpu.memory_space<vmem>>)
    %dma_start3A_11 = arith.constant 0 : i32
    %dma_start3A_12 = arith.constant 0 : i32
    %dma_start3A_13 = tpu.memref_slice %arg3[%dma_start3A_11, %dma_start3A_12] : memref<100000x128xf32, #tpu.memory_space<hbm>> -> memref<100000x128xf32, #tpu.memory_space<hbm>>
    tpu.enqueue_indirect_dma source(%dma_start3A_13 : memref<100000x128xf32, #tpu.memory_space<hbm>>) target(%arg9 : memref<128x128xf32, #tpu.memory_space<vmem>>) offsets(%arg7 : memref<128xi32, #tpu.memory_space<vmem>>) semaphore(%arg13 : memref<!tpu.dma_semaphore, #tpu.memory_space<semaphore_mem>>)
    %dma_start3A_14 = arith.constant 0 : i32
    %dma_start3A_15 = arith.constant 0 : i32
    %dma_start3A_16 = tpu.memref_slice %arg4[%dma_start3A_14, %dma_start3A_15] : memref<100000x128xf32, #tpu.memory_space<hbm>> -> memref<100000x128xf32, #tpu.memory_space<hbm>>
    tpu.enqueue_indirect_dma source(%dma_start3A_16 : memref<100000x128xf32, #tpu.memory_space<hbm>>) target(%arg10 : memref<128x128xf32, #tpu.memory_space<vmem>>) offsets(%arg7 : memref<128xi32, #tpu.memory_space<vmem>>) semaphore(%arg13 : memref<!tpu.dma_semaphore, #tpu.memory_space<semaphore_mem>>)
    %dma_wait3A_17 = tpu.memref_slice %arg2[%add3A_7] : memref<16384xi32, #tpu.memory_space<hbm>> -> memref<128xi32, #tpu.memory_space<hbm>>
    %dma_wait3A_18 = tpu.memref_slice %arg2[%add3A_7] : memref<16384xi32, #tpu.memory_space<hbm>> -> memref<128xi32, #tpu.memory_space<hbm>>
    tpu.wait_dma2 semaphore(%arg15 : memref<!tpu.dma_semaphore, #tpu.memory_space<semaphore_mem>>) src(%dma_wait3A_18 : memref<128xi32, #tpu.memory_space<hbm>>) dst(%arg8 : memref<128xi32, #tpu.memory_space<vmem>>)
    %dma_start3A_19 = arith.constant 0 : i32
    %dma_start3A_20 = arith.constant 0 : i32
    %dma_start3A_21 = tpu.memref_slice %arg3[%dma_start3A_19, %dma_start3A_20] : memref<100000x128xf32, #tpu.memory_space<hbm>> -> memref<100000x128xf32, #tpu.memory_space<hbm>>
    tpu.enqueue_indirect_dma source(%dma_start3A_21 : memref<100000x128xf32, #tpu.memory_space<hbm>>) target(%arg11 : memref<128x128xf32, #tpu.memory_space<vmem>>) offsets(%arg8 : memref<128xi32, #tpu.memory_space<vmem>>) semaphore(%arg14 : memref<!tpu.dma_semaphore, #tpu.memory_space<semaphore_mem>>)
    %dma_start3A_22 = arith.constant 0 : i32
    %dma_start3A_23 = arith.constant 0 : i32
    %dma_start3A_24 = tpu.memref_slice %arg4[%dma_start3A_22, %dma_start3A_23] : memref<100000x128xf32, #tpu.memory_space<hbm>> -> memref<100000x128xf32, #tpu.memory_space<hbm>>
    tpu.enqueue_indirect_dma source(%dma_start3A_24 : memref<100000x128xf32, #tpu.memory_space<hbm>>) target(%arg12 : memref<128x128xf32, #tpu.memory_space<vmem>>) offsets(%arg8 : memref<128xi32, #tpu.memory_space<vmem>>) semaphore(%arg14 : memref<!tpu.dma_semaphore, #tpu.memory_space<semaphore_mem>>)
    %dma_wait3A_25 = arith.constant 0 : i32
    %dma_wait3A_26 = arith.constant 0 : i32
    %dma_wait3A_27 = tpu.memref_slice %arg3[%dma_wait3A_25, %dma_wait3A_26] : memref<100000x128xf32, #tpu.memory_space<hbm>> -> memref<100000x128xf32, #tpu.memory_space<hbm>>
    tpu.wait_indirect_dma semaphore(%arg13 : memref<!tpu.dma_semaphore, #tpu.memory_space<semaphore_mem>>) src(%dma_wait3A_27 : memref<100000x128xf32, #tpu.memory_space<hbm>>) dst(%arg9 : memref<128x128xf32, #tpu.memory_space<vmem>>)
    %dma_wait3A_28 = arith.constant 0 : i32
    %dma_wait3A_29 = arith.constant 0 : i32
    %dma_wait3A_30 = tpu.memref_slice %arg4[%dma_wait3A_28, %dma_wait3A_29] : memref<100000x128xf32, #tpu.memory_space<hbm>> -> memref<100000x128xf32, #tpu.memory_space<hbm>>
    tpu.wait_indirect_dma semaphore(%arg13 : memref<!tpu.dma_semaphore, #tpu.memory_space<semaphore_mem>>) src(%dma_wait3A_30 : memref<100000x128xf32, #tpu.memory_space<hbm>>) dst(%arg10 : memref<128x128xf32, #tpu.memory_space<vmem>>)
    %dma_start3A_31 = arith.constant 0 : i32
    %dma_start3A_32 = tpu.memref_slice %arg5[%mul3A_2, %dma_start3A_31] : memref<8192x128xf32, #tpu.memory_space<hbm>> -> memref<128x128xf32, #tpu.memory_space<hbm>>
    %dma_start3A_33 = arith.constant 0 : i32
    %dma_start3A_34 = tpu.memref_slice %arg5[%mul3A_2, %dma_start3A_33] : memref<8192x128xf32, #tpu.memory_space<hbm>> -> memref<128x128xf32, #tpu.memory_space<hbm>>
    tpu.enqueue_dma source(%arg9 : memref<128x128xf32, #tpu.memory_space<vmem>>) target(%dma_start3A_34 : memref<128x128xf32, #tpu.memory_space<hbm>>) target_semaphore(%arg15 : memref<!tpu.dma_semaphore, #tpu.memory_space<semaphore_mem>>)
    %dma_start3A_35 = arith.constant 0 : i32
    %dma_start3A_36 = tpu.memref_slice %arg6[%mul3A_2, %dma_start3A_35] : memref<8192x128xf32, #tpu.memory_space<hbm>> -> memref<128x128xf32, #tpu.memory_space<hbm>>
    %dma_start3A_37 = arith.constant 0 : i32
    %dma_start3A_38 = tpu.memref_slice %arg6[%mul3A_2, %dma_start3A_37] : memref<8192x128xf32, #tpu.memory_space<hbm>> -> memref<128x128xf32, #tpu.memory_space<hbm>>
    tpu.enqueue_dma source(%arg10 : memref<128x128xf32, #tpu.memory_space<vmem>>) target(%dma_start3A_38 : memref<128x128xf32, #tpu.memory_space<hbm>>) target_semaphore(%arg15 : memref<!tpu.dma_semaphore, #tpu.memory_space<semaphore_mem>>)
    %dma_wait3A_39 = arith.constant 0 : i32
    %dma_wait3A_40 = arith.constant 0 : i32
    %dma_wait3A_41 = tpu.memref_slice %arg3[%dma_wait3A_39, %dma_wait3A_40] : memref<100000x128xf32, #tpu.memory_space<hbm>> -> memref<100000x128xf32, #tpu.memory_space<hbm>>
    tpu.wait_indirect_dma semaphore(%arg14 : memref<!tpu.dma_semaphore, #tpu.memory_space<semaphore_mem>>) src(%dma_wait3A_41 : memref<100000x128xf32, #tpu.memory_space<hbm>>) dst(%arg11 : memref<128x128xf32, #tpu.memory_space<vmem>>)
    %dma_wait3A_42 = arith.constant 0 : i32
    %dma_wait3A_43 = arith.constant 0 : i32
    %dma_wait3A_44 = tpu.memref_slice %arg4[%dma_wait3A_42, %dma_wait3A_43] : memref<100000x128xf32, #tpu.memory_space<hbm>> -> memref<100000x128xf32, #tpu.memory_space<hbm>>
    tpu.wait_indirect_dma semaphore(%arg14 : memref<!tpu.dma_semaphore, #tpu.memory_space<semaphore_mem>>) src(%dma_wait3A_44 : memref<100000x128xf32, #tpu.memory_space<hbm>>) dst(%arg12 : memref<128x128xf32, #tpu.memory_space<vmem>>)
    %add3A_45 = arith.constant 128 : i32
    %add3A_46 = arith.addi %mul3A_2, %add3A_45 : i32
    %dma_start3A_47 = arith.constant 0 : i32
    %dma_start3A_48 = tpu.memref_slice %arg5[%add3A_46, %dma_start3A_47] : memref<8192x128xf32, #tpu.memory_space<hbm>> -> memref<128x128xf32, #tpu.memory_space<hbm>>
    %dma_start3A_49 = arith.constant 0 : i32
    %dma_start3A_50 = tpu.memref_slice %arg5[%add3A_46, %dma_start3A_49] : memref<8192x128xf32, #tpu.memory_space<hbm>> -> memref<128x128xf32, #tpu.memory_space<hbm>>
    tpu.enqueue_dma source(%arg11 : memref<128x128xf32, #tpu.memory_space<vmem>>) target(%dma_start3A_50 : memref<128x128xf32, #tpu.memory_space<hbm>>) target_semaphore(%arg15 : memref<!tpu.dma_semaphore, #tpu.memory_space<semaphore_mem>>)
    %add3A_51 = arith.constant 128 : i32
    %add3A_52 = arith.addi %mul3A_2, %add3A_51 : i32
    %dma_start3A_53 = arith.constant 0 : i32
    %dma_start3A_54 = tpu.memref_slice %arg6[%add3A_52, %dma_start3A_53] : memref<8192x128xf32, #tpu.memory_space<hbm>> -> memref<128x128xf32, #tpu.memory_space<hbm>>
    %dma_start3A_55 = arith.constant 0 : i32
    %dma_start3A_56 = tpu.memref_slice %arg6[%add3A_52, %dma_start3A_55] : memref<8192x128xf32, #tpu.memory_space<hbm>> -> memref<128x128xf32, #tpu.memory_space<hbm>>
    tpu.enqueue_dma source(%arg12 : memref<128x128xf32, #tpu.memory_space<vmem>>) target(%dma_start3A_56 : memref<128x128xf32, #tpu.memory_space<hbm>>) target_semaphore(%arg15 : memref<!tpu.dma_semaphore, #tpu.memory_space<semaphore_mem>>)
    %dma_wait3A_57 = arith.constant 0 : i32
    %dma_wait3A_58 = tpu.memref_slice %arg5[%mul3A_2, %dma_wait3A_57] : memref<8192x128xf32, #tpu.memory_space<hbm>> -> memref<128x128xf32, #tpu.memory_space<hbm>>
    %dma_wait3A_59 = arith.constant 0 : i32
    %dma_wait3A_60 = tpu.memref_slice %arg5[%mul3A_2, %dma_wait3A_59] : memref<8192x128xf32, #tpu.memory_space<hbm>> -> memref<128x128xf32, #tpu.memory_space<hbm>>
    tpu.wait_dma2 semaphore(%arg15 : memref<!tpu.dma_semaphore, #tpu.memory_space<semaphore_mem>>) src(%arg9 : memref<128x128xf32, #tpu.memory_space<vmem>>) dst(%dma_wait3A_60 : memref<128x128xf32, #tpu.memory_space<hbm>>)
    %dma_wait3A_61 = arith.constant 0 : i32
    %dma_wait3A_62 = tpu.memref_slice %arg6[%mul3A_2, %dma_wait3A_61] : memref<8192x128xf32, #tpu.memory_space<hbm>> -> memref<128x128xf32, #tpu.memory_space<hbm>>
    %dma_wait3A_63 = arith.constant 0 : i32
    %dma_wait3A_64 = tpu.memref_slice %arg6[%mul3A_2, %dma_wait3A_63] : memref<8192x128xf32, #tpu.memory_space<hbm>> -> memref<128x128xf32, #tpu.memory_space<hbm>>
    tpu.wait_dma2 semaphore(%arg15 : memref<!tpu.dma_semaphore, #tpu.memory_space<semaphore_mem>>) src(%arg10 : memref<128x128xf32, #tpu.memory_space<vmem>>) dst(%dma_wait3A_64 : memref<128x128xf32, #tpu.memory_space<hbm>>)
    %dma_wait3A_65 = arith.constant 0 : i32
    %dma_wait3A_66 = tpu.memref_slice %arg5[%add3A_46, %dma_wait3A_65] : memref<8192x128xf32, #tpu.memory_space<hbm>> -> memref<128x128xf32, #tpu.memory_space<hbm>>
    %dma_wait3A_67 = arith.constant 0 : i32
    %dma_wait3A_68 = tpu.memref_slice %arg5[%add3A_46, %dma_wait3A_67] : memref<8192x128xf32, #tpu.memory_space<hbm>> -> memref<128x128xf32, #tpu.memory_space<hbm>>
    tpu.wait_dma2 semaphore(%arg15 : memref<!tpu.dma_semaphore, #tpu.memory_space<semaphore_mem>>) src(%arg11 : memref<128x128xf32, #tpu.memory_space<vmem>>) dst(%dma_wait3A_68 : memref<128x128xf32, #tpu.memory_space<hbm>>)
    %dma_wait3A_69 = arith.constant 0 : i32
    %dma_wait3A_70 = tpu.memref_slice %arg6[%add3A_52, %dma_wait3A_69] : memref<8192x128xf32, #tpu.memory_space<hbm>> -> memref<128x128xf32, #tpu.memory_space<hbm>>
    %dma_wait3A_71 = arith.constant 0 : i32
    %dma_wait3A_72 = tpu.memref_slice %arg6[%add3A_52, %dma_wait3A_71] : memref<8192x128xf32, #tpu.memory_space<hbm>> -> memref<128x128xf32, #tpu.memory_space<hbm>>
    tpu.wait_dma2 semaphore(%arg15 : memref<!tpu.dma_semaphore, #tpu.memory_space<semaphore_mem>>) src(%arg12 : memref<128x128xf32, #tpu.memory_space<vmem>>) dst(%dma_wait3A_72 : memref<128x128xf32, #tpu.memory_space<hbm>>)
    return
  }
}

module attributes {stable_mosaic.version = 14 : i64} {
  func.func @_tc_norm1_body(%arg0: i32, %arg1: memref<4096x128xf32, #tpu.memory_space<vmem>>, %arg2: memref<4096x128xf32, #tpu.memory_space<vmem>>, %arg3: memref<4096x128xf32, #tpu.memory_space<vmem>>, %arg4: memref<16384x128xf32, #tpu.memory_space<any>>, %arg5: memref<4096x128xf32, #tpu.memory_space<vmem>>) attributes {dimension_semantics = [#tpu.dimension_semantics<arbitrary>], iteration_bounds = array<i64: 2>, scalar_prefetch = 0 : i64, scratch_operands = 0 : i64, tpu.core_type = #tpu.core_type<tc>, window_params = [{transform_indices = @transform_0, window_bounds = array<i64: 4096, 128>}, {transform_indices = @transform_1, window_bounds = array<i64: 4096, 128>}, {transform_indices = @transform_2, window_bounds = array<i64: 4096, 128>}, {}, {transform_indices = @transform_4, window_bounds = array<i64: 4096, 128>}]} {
    %get3A = arith.constant 0 : index
    %get3A_0 = arith.constant 0 : index
    %get3A_1 = vector.load %arg1[%get3A, %get3A_0] : memref<4096x128xf32, #tpu.memory_space<vmem>>, vector<4096x128xf32>
    %get3A_2 = arith.constant 0 : index
    %get3A_3 = arith.constant 0 : index
    %get3A_4 = vector.load %arg3[%get3A_2, %get3A_3] : memref<4096x128xf32, #tpu.memory_space<vmem>>, vector<4096x128xf32>
    %exp3A = math.exp %get3A_4 : vector<4096x128xf32>
    %log1p3A = math.log1p %exp3A : vector<4096x128xf32>
    %get3A_5 = arith.constant 0 : index
    %get3A_6 = arith.constant 0 : index
    %get3A_7 = vector.load %arg2[%get3A_5, %get3A_6] : memref<4096x128xf32, #tpu.memory_space<vmem>>, vector<4096x128xf32>
    %sub3A = arith.subf %get3A_1, %get3A_7 : vector<4096x128xf32>
    %div3A = arith.divf %sub3A, %log1p3A : vector<4096x128xf32>
    %mul3A = arith.constant 0.699999988 : f32
    %mul3A_8 = vector.broadcast %mul3A : f32 to vector<4096x128xf32>
    %mul3A_9 = arith.mulf %mul3A_8, %div3A : vector<4096x128xf32>
    %mul3A_10 = arith.constant 3.000000e-01 : f32
    %mul3A_11 = vector.broadcast %mul3A_10 : f32 to vector<4096x128xf32>
    %mul3A_12 = arith.mulf %mul3A_11, %get3A_1 : vector<4096x128xf32>
    %add3A = arith.addf %mul3A_9, %mul3A_12 : vector<4096x128xf32>
    %swap3A = arith.constant 0 : index
    %swap3A_13 = arith.constant 0 : index
    %swap3A_14 = vector.load %arg5[%swap3A, %swap3A_13] : memref<4096x128xf32, #tpu.memory_space<vmem>>, vector<4096x128xf32>
    tpu.vector_store %arg5[%swap3A, %swap3A_13], %add3A {strides = array<i32>} : memref<4096x128xf32, #tpu.memory_space<vmem>>, vector<4096x128xf32>,
    return
  }
  func.func @transform_0(%arg0: i32) -> (i32, i32) {
    %add3A = arith.constant 2 : i32
    %add3A_0 = arith.addi %arg0, %add3A : i32
    %c0_i32 = arith.constant 0 : i32
    %c0_i32_1 = arith.constant 0 : i32
    return %add3A_0, %c0_i32 : i32, i32
  }
  func.func @transform_1(%arg0: i32) -> (i32, i32) {
    %c0_i32 = arith.constant 0 : i32
    %c0_i32_0 = arith.constant 0 : i32
    return %arg0, %c0_i32 : i32, i32
  }
  func.func @transform_2(%arg0: i32) -> (i32, i32) {
    %c0_i32 = arith.constant 0 : i32
    %c0_i32_0 = arith.constant 0 : i32
    return %arg0, %c0_i32 : i32, i32
  }
  func.func @transform_4(%arg0: i32) -> (i32, i32) {
    %add3A = arith.constant 2 : i32
    %add3A_0 = arith.addi %arg0, %add3A : i32
    %c0_i32 = arith.constant 0 : i32
    %c0_i32_1 = arith.constant 0 : i32
    return %add3A_0, %c0_i32 : i32, i32
  }
}

module attributes {stable_mosaic.version = 14 : i64} {
  func.func @_tc_norm0_body(%arg0: i32, %arg1: memref<4096x128xf32, #tpu.memory_space<vmem>>, %arg2: memref<4096x128xf32, #tpu.memory_space<vmem>>, %arg3: memref<4096x128xf32, #tpu.memory_space<vmem>>, %arg4: memref<4096x128xf32, #tpu.memory_space<vmem>>) attributes {dimension_semantics = [#tpu.dimension_semantics<arbitrary>], iteration_bounds = array<i64: 2>, scalar_prefetch = 0 : i64, scratch_operands = 0 : i64, tpu.core_type = #tpu.core_type<tc>, window_params = [{transform_indices = @transform_0, window_bounds = array<i64: 4096, 128>}, {transform_indices = @transform_1, window_bounds = array<i64: 4096, 128>}, {transform_indices = @transform_2, window_bounds = array<i64: 4096, 128>}, {transform_indices = @transform_3, window_bounds = array<i64: 4096, 128>}]} {
    %get3A = arith.constant 0 : index
    %get3A_0 = arith.constant 0 : index
    %get3A_1 = vector.load %arg1[%get3A, %get3A_0] : memref<4096x128xf32, #tpu.memory_space<vmem>>, vector<4096x128xf32>
    %get3A_2 = arith.constant 0 : index
    %get3A_3 = arith.constant 0 : index
    %get3A_4 = vector.load %arg3[%get3A_2, %get3A_3] : memref<4096x128xf32, #tpu.memory_space<vmem>>, vector<4096x128xf32>
    %exp3A = math.exp %get3A_4 : vector<4096x128xf32>
    %log1p3A = math.log1p %exp3A : vector<4096x128xf32>
    %get3A_5 = arith.constant 0 : index
    %get3A_6 = arith.constant 0 : index
    %get3A_7 = vector.load %arg2[%get3A_5, %get3A_6] : memref<4096x128xf32, #tpu.memory_space<vmem>>, vector<4096x128xf32>
    %sub3A = arith.subf %get3A_1, %get3A_7 : vector<4096x128xf32>
    %div3A = arith.divf %sub3A, %log1p3A : vector<4096x128xf32>
    %mul3A = arith.constant 0.699999988 : f32
    %mul3A_8 = vector.broadcast %mul3A : f32 to vector<4096x128xf32>
    %mul3A_9 = arith.mulf %mul3A_8, %div3A : vector<4096x128xf32>
    %mul3A_10 = arith.constant 3.000000e-01 : f32
    %mul3A_11 = vector.broadcast %mul3A_10 : f32 to vector<4096x128xf32>
    %mul3A_12 = arith.mulf %mul3A_11, %get3A_1 : vector<4096x128xf32>
    %add3A = arith.addf %mul3A_9, %mul3A_12 : vector<4096x128xf32>
    %swap3A = arith.constant 0 : index
    %swap3A_13 = arith.constant 0 : index
    %swap3A_14 = vector.load %arg4[%swap3A, %swap3A_13] : memref<4096x128xf32, #tpu.memory_space<vmem>>, vector<4096x128xf32>
    tpu.vector_store %arg4[%swap3A, %swap3A_13], %add3A {strides = array<i32>} : memref<4096x128xf32, #tpu.memory_space<vmem>>, vector<4096x128xf32>,
    return
  }
  func.func @transform_0(%arg0: i32) -> (i32, i32) {
    %c0_i32 = arith.constant 0 : i32
    %c0_i32_0 = arith.constant 0 : i32
    return %arg0, %c0_i32 : i32, i32
  }
  func.func @transform_1(%arg0: i32) -> (i32, i32) {
    %c0_i32 = arith.constant 0 : i32
    %c0_i32_0 = arith.constant 0 : i32
    return %arg0, %c0_i32 : i32, i32
  }
  func.func @transform_2(%arg0: i32) -> (i32, i32) {
    %c0_i32 = arith.constant 0 : i32
    %c0_i32_0 = arith.constant 0 : i32
    return %arg0, %c0_i32 : i32, i32
  }
  func.func @transform_3(%arg0: i32) -> (i32, i32) {
    %c0_i32 = arith.constant 0 : i32
    %c0_i32_0 = arith.constant 0 : i32
    return %arg0, %c0_i32 : i32, i32
  }
}

</mosaic_0001>

<sc_bundles>
// kernel: kernel.6.cloned.1.call-start
scs
__scs_entry_jumppad:
0x0: {  	(pc) =	sbr.rel $0x88, $3  }
0x1: {  	(tag) =	ssettag $0x0;
	lr =	simm.s32 $0x1  }
0x2: {  	[smem:$0x3F9D] =	sst lr;
	_ =	strace $0xD0000000  }
0x3: {  	_ = 	snop  }
0x4: {  	_ = 	snop  }
0x5: {  	_ = 	snop  }
0x6: {  	_ = 	snop  }
0x7: {  	_ = 	snop  }
__scs_overlays_trampoline_lowered:
0x8: {  	[smem:$0x3FAC] =	sst s0  }
0x9: {  	[smem:$0x3FAD] =	sst s1  }
0xa: {  	[smem:$0x3FAE] =	sst s2  }
0xb: {  	[smem:$0x3FAF] =	sst s3  }
0xc: {  	[smem:$0x3FB0] =	sst s4  }
0xd: {  	[smem:$0x3FB1] =	sst s5  }
0xe: {  	[smem:$0x3FB2] =	sst s6  }
0xf: {  	[smem:$0x3FB3] =	sst s7  }
0x10: {  	[smem:$0x3FB4] =	sst s8  }
0x11: {  	[smem:$0x3FB5] =	sst s9;
	s0 =	simm.s32 @!p0 $0x0  }
0x12: {  	s1 =	sld [smem:$0x3F9B];
	s0 =	simm.s32 @p0 $0x1  }
0x13: {  	[smem:$0x3FB6] =	sst s0;
	s0 =	simm.s32 @!p1 $0x0  }
0x14: {  	s2 =	sld [smem:$0x3F9A];
	s0 =	simm.s32 @p1 $0x1  }
0x15: {  	[smem:$0x3FB7] =	sst s0;
	s0 =	simm.s32 @!p2 $0x0  }
0x16: {  	s3 =	sld [smem:$0x3FDB];
	s0 =	simm.s32 @p2 $0x1  }
0x17: {  	s4 =	simm.s32 $0x1BF5;
	[smem:$0x3FB9] =	sst s0  }
0x18: {  	s0 =	sld [smem:$0x3F9C];
	_ =	swait.ge [sflag:s4], $0x0  }
0x19: {  	s7 =	sld [smem:$0x3F9D]  }
0x1a: {  	s8 =	sadd.s32 $0xFFFFE003, lr  }
0x1b: {  	s9 =	sadd.s32 $0xFFFFFEF7, lr;
	s5 =	simm.s32 $0xFFFFFFFF;
	p2 =	slt.u32 s8, $0xFFFFF086  }
0x1c: {  	p1 =	slt.u32 s9, $0xF7A;
	s5 =	simm.s32 @!p2 $0x0  }
0x1d: {  	s5 =	simm.s32 @p1 $0x1;
	p0 =	seq.s32 s7, s2  }
0x1e: {  	s7 =	smul.u32 @!p0 $0xF7A, s2;
	p2 =	seq.s32 @!p0 s5, $0x0  }
0x1f: {  	s9 =	smul.u32 $0xF7A, s1;
	s8 =	simm.s32 @!p0 $0x1BF5;
	p2 =	por !p2, p0  }
0x20: {  	[sflag:s8] =	ssyncset.s32 @!p0 $0xFFFFF086;
	s6 =	sadd.s32 @!p0 s3, s7;
	s7 =	simm.s32 @!p0 $0x108  }
0x21: {  	s3 =	sadd.s32 s3, s9;
	s6 =	sadd.s32 @!p0 $0x88, s6;
	s7 =	simm.s32 @p2 $0x1082  }
0x22: {  	[simem:s7], [sflag:s8] =	dma.local @!p0 [hbm:s6], $0xF7A  }
0x23: {  	s9 =	sor.u32 $0xD0000000, s2;
	s6 =	simm.s32 $0x108;
	_ =	swait.ge @!p0 [sflag:s8], $0x0  }
0x24: {  	s3 =	sadd.s32 $0x88, s3;
	s6 =	simm.s32 @!p1 $0x1082;
	[sflag:s4] =	ssyncset.s32 $0xFFFFF086  }
0x25: {  	[simem:s6], [sflag:s4] =	dma.local [hbm:s3], $0xF7A  }
0x26: {  	[smem:$0x3F9D] =	sst s1;
	(tag) =	ssettag s2;
	_ =	strace s9  }
0x27: {  	s1 =	sld [smem:$0x3FAD]  }
0x28: {  	s2 =	sld [smem:$0x3FAE]  }
0x29: {  	s4 =	sld [smem:$0x3FB0]  }
0x2a: {  	p0 =	seq.s32 s5, $0x0;
	s5 =	sld [smem:$0x3FB1]  }
0x2b: {  	s6 =	sld [smem:$0x3FB2]  }
0x2c: {  	s7 =	sld [smem:$0x3FB3]  }
0x2d: {  	s3 =	simm.s32 $0x108;
	s8 =	sld [smem:$0x3FB4]  }
0x2e: {  	s3 =	simm.s32 @!p0 $0x1082;
	s9 =	sld [smem:$0x3FB5]  }
0x2f: {  	lr =	sadd.s32 s0, s3;
	s0 =	sld [smem:$0x3FAC]  }
0x30: {  	s3 =	sld [smem:$0x3FAF]  }
0x31: {  	[smem:$0x3FB8] =	sst s10  }
0x32: {  	s10 =	sld [smem:$0x3FB6];
	_ =	sdelay $0x3  }
0x33: {  	p0 =	seq.s32 s10, $0x1;
	s10 =	sld [smem:$0x3FB8];
	_ =	sdelay $0x3  }
0x34: {  	[smem:$0x3FB8] =	sst s10  }
0x35: {  	s10 =	sld [smem:$0x3FB7];
	_ =	sdelay $0x3  }
0x36: {  	p1 =	seq.s32 s10, $0x1;
	s10 =	sld [smem:$0x3FB8];
	_ =	sdelay $0x3  }
0x37: {  	[smem:$0x3FB8] =	sst s10  }
0x38: {  	s10 =	sld [smem:$0x3FB9]  }
0x39: {  	_ = 	snop;
	(pc) =	sbr.ind lr, $3  }
0x3a: {  	_ = 	snop  }
0x3b: {  	_ = 	snop  }
0x3c: {  	p2 =	seq.s32 s10, $0x1;
	s10 =	sld [smem:$0x3FB8]  }
0x3d: {  	_ =	shalt  }
0x3e: {  	_ =	shalt  }
0x3f: {  	_ =	shalt  }
0x40: {  	_ =	shalt  }
0x41: {  	_ =	shalt  }
0x42: {  	_ =	shalt  }
0x43: {  	_ =	shalt  }
0x44: {  	_ =	shalt  }
0x45: {  	_ =	shalt  }
0x46: {  	_ =	shalt  }
0x47: {  	_ =	shalt  }
0x48: {  	_ =	shalt  }
0x49: {  	_ =	shalt  }
0x4a: {  	_ =	shalt  }
0x4b: {  	_ =	shalt  }
0x4c: {  	_ =	shalt  }
0x4d: {  	_ =	shalt  }
0x4e: {  	_ =	shalt  }
0x4f: {  	_ =	shalt  }
0x50: {  	_ =	shalt  }
0x51: {  	_ =	shalt  }
0x52: {  	_ =	shalt  }
0x53: {  	_ =	shalt  }
0x54: {  	_ =	shalt  }
0x55: {  	_ =	shalt  }
0x56: {  	_ =	shalt  }
0x57: {  	_ =	shalt  }
0x58: {  	_ =	shalt  }
0x59: {  	_ =	shalt  }
0x5a: {  	_ =	shalt  }
0x5b: {  	_ =	shalt  }
0x5c: {  	_ =	shalt  }
0x5d: {  	_ =	shalt  }
0x5e: {  	_ =	shalt  }
0x5f: {  	_ =	shalt  }
0x60: {  	_ =	shalt  }
0x61: {  	_ =	shalt  }
0x62: {  	_ =	shalt  }
0x63: {  	_ =	shalt  }
0x64: {  	_ =	shalt  }
0x65: {  	_ =	shalt  }
0x66: {  	_ =	shalt  }
0x67: {  	_ =	shalt  }
0x68: {  	_ =	shalt  }
0x69: {  	_ =	shalt  }
0x6a: {  	_ =	shalt  }
0x6b: {  	_ =	shalt  }
0x6c: {  	_ =	shalt  }
0x6d: {  	_ =	shalt  }
0x6e: {  	_ =	shalt  }
0x6f: {  	_ =	shalt  }
0x70: {  	_ =	shalt  }
0x71: {  	_ =	shalt  }
0x72: {  	_ =	shalt  }
0x73: {  	_ =	shalt  }
0x74: {  	_ =	shalt  }
0x75: {  	_ =	shalt  }
0x76: {  	_ =	shalt  }
0x77: {  	_ =	shalt  }
0x78: {  	_ =	shalt  }
0x79: {  	_ =	shalt  }
0x7a: {  	_ =	shalt  }
0x7b: {  	_ =	shalt  }
0x7c: {  	_ =	shalt  }
0x7d: {  	_ =	shalt  }
0x7e: {  	_ =	shalt  }
0x7f: {  	_ =	shalt  }
0x80: {  	_ =	shalt  }
0x81: {  	_ =	shalt  }
0x82: {  	_ =	shalt  }
0x83: {  	_ =	shalt  }
0x84: {  	_ =	shalt  }
0x85: {  	_ =	shalt  }
0x86: {  	_ =	shalt  }
0x87: {  	_ =	shalt  }
.Lfunc_end0:
.L_simem_size_0:
called_computation_lowered:
.L_overlay_start_0:
0x88: {  	s2 =	sld [smem:$0x3FD9]  }
0x89: {  	s3 =	sld [smem:$0x3FFE];
	_ =	sdelay $0x1  }
0x8a: {  	s1 =	srdreg.scid  }
0x8b: {  	s0 =	sand.u32 $0x1, s1  }
0x8c: {  	s17 =	sshll.u32 s0, $0xA;
	s2 =	sadd.s32 s3, s2  }
0x8d: {  	s2 =	sadd.s32 s2, s17  }
0x8e: {  	[smem:$0x3FC4] =	sst s2  }
0x8f: {  	_ = 	snop  }
0x90: {  	s2 =	sld [smem:$0x3FC8]  }
0x91: {  	s18 =	sld [smem:$0x3FC7]  }
0x92: {  	s4 =	sld [smem:$0x3FC6]  }
0x93: {  	s5 =	sld [smem:$0x3FD0];
	(tm) =	ssettm $0x1  }
0x94: {  	s6 =	sld [smem:$0x3FFB];
	_ =	sdelay $0x3  }
0x95: {  	_ =	strace s6  }
0x96: {  	s6 =	sld [smem:$0x3FFC];
	_ =	sdelay $0x3  }
0x97: {  	_ =	strace s6  }
0x98: {  	s6 =	sld [smem:$0x3FFD];
	_ =	sdelay $0x3  }
0x99: {  	_ =	strace s6  }
0x9a: {  	_ =	strace $0x8FFFFFFF  }
0x9b: {  	s19 =	sld [smem:$0x3FDB];
	_ =	sdelay $0x1  }
0x9c: {  	s7 =	simm.s32 $_scs_section_size  }
0x9d: {  	s8 =	simm.s32 $_size__tile_overlayer_lowered;
	s9 =	simm.s32 $_tile_overlayer_lowered  }
0x9e: {  	s22 =	simm.s32 $0x1BFF;
	s21 =	sshll.u32 s9, $0x1;
	s6 =	sadd.s32 s7, s19  }
0x9f: {  	s10 =	simm.s32 $0x0;
	s20 =	sshll.u32 s8, $0x1;
	s8 =	sadd.s32 s21, s6  }
0xa0: {  	[timem:s10], [sflag:s22] =	dma.local [hbm:s8], s20  }
0xa1: {  	_ =	swait.ge [sflag:s22], s20  }
0xa2: {  	s7 =	ssub.s32 $0x0, s20;
	[sflag:s22] =	ssyncset.done $0x0  }
0xa3: {  	[sflag:s22] =	ssyncadd.s32 s7;
	_ =	sdelay $0x1  }
0xa4: {  	s23 =	simm.s32 $0x1B8B  }
0xa5: {  	_ =	swait.ge [sflag:s23], $0x1  }
0xa6: {  	[sflag:s23] =	ssyncset.done $0x0  }
0xa7: {  	s25 =	simm.s32 $0x1B8E;
	s24 =	sld [smem:$0x3FFE];
	[sflag:s23] =	ssyncadd.s32 $0xFFFFFFFF  }
0xa8: {  	s26 =	simm.s32 $execute0_lowered;
	[smem:$0x3FD2] =	sst s25  }
0xa9: {  	s8 =	sshll.u32 s26, $0x1;
	_ =	strace $0x80000046;
	[dreg:$0x1] =	wrdreg $0xFFFFFFFF  }
0xaa: {  	s28 =	simm.s32 $_size_execute0_lowered;
	s6 =	sadd.s32 s6, s8;
	[dreg:$0x0] =	wrdreg $0x0  }
0xab: {  	s8 =	sshll.u32 s28, $0x1;
	[dreg:$0x2] =	wrdreg s6  }
0xac: {  	[dreg:$0x3] =	wrdreg s8  }
0xad: {  	[dreg:$0x4] =	wrdreg $0xC0  }
0xae: {  	_ =	task [dreg:s10], $0x5FFFF  }
0xaf: {  	[dreg:$0x1] =	wrdreg $0xFFFFFFFF  }
0xb0: {  	[dreg:$0x0] =	wrdreg $0x60  }
0xb1: {  	[dreg:$0x2] =	wrdreg s2  }
0xb2: {  	[dreg:$0x3] =	wrdreg s18  }
0xb3: {  	[dreg:$0x4] =	wrdreg s4  }
0xb4: {  	[dreg:$0x5] =	wrdreg s5  }
0xb5: {  	[dreg:$0x6] =	wrdreg s24  }
0xb6: {  	[dreg:$0x7] =	wrdreg $0x9  }
0xb7: {  	_ =	task.clear_ibuf [dreg:s10], $0x8FFFF;
	_ =	strace $0x90000046  }
0xb8: {  	s29 =	simm.s32 $0x9;
	_ =	strace $0x80000048  }
0xb9: {  	_ =	swait.ge [sflag:s29], $0x1  }
0xba: {  	[sflag:s29] =	ssyncadd.s32 $0xFFFFFFFF  }
0xbb: {  	_ =	strace $0x90000048  }
0xbc: {  	_ =	sfence  }
0xbd: {  	s30 =	sld [smem:$0x0];
	_ =	sdelay $0x2  }
0xbe: {  	s31 =	sshll.u32 s1, $0xD;
	s1 =	sshrl.u32 s1, $0x2  }
0xbf: {  	s3 =	sand.u32 $0x4000, s31;
	s1 =	sadd.s32 s1, s30  }
0xc0: {  	s0 =	sor.u32 s3, s0;
	s1 =	sshll.u32 s1, $0x11  }
0xc1: {  	s0 =	sor.u32 s1, s0  }
0xc2: {  	s0 =	sadd.s32 $0x8F2B, s0  }
0xc3: {  	[sflag:s0] =	ssyncadd.remote.s32 $0x1  }
0xc4: {  	_ =	sfence.sel $0xFFFF  }
0xc5: {  	[dreg:$0x0] =	wrdreg $0xFFFFFFFF;
	(pc) =	sbr.abs _section_cstart, $3  }
0xc6: {  	[dreg:$0x1] =	wrdreg $0xFFFFFFFF  }
0xc7: {  	_ =	task.clear_ibuf [dreg:s10], $0x2FFFF;
	_ =	strace $0x9FFFFFFF  }
0xc8: {  	(tm) =	ssettm $0x7FFFFFFF  }
0xc9: {  	_ =	shalt  }
tec
execute0_lowered:
.L_overlay_start_1:
0x0: {  	(tag) =	ssettag $0x1  }
0x1: {  	s6 =	rddreg [dreg:$0x0]  }
0x2: {  	s1 =	rddreg [dreg:$0x1]  }
0x3: {  	s2 =	rddreg [dreg:$0x2];
	s3 =	srdreg.scid  }
0x4: {  	s17 =	rddreg [dreg:$0x3];
	s0 =	stileid.u32;
	s19 =	sand.u32 $0x1, s3  }
0x5: {  	s14 =	rddreg [dreg:$0x4];
	s5 =	sshll.u32 s0, $0x9;
	s7 =	sshll.u32 s19, $0x8  }
0x6: {  	s4 =	simm.s32 $0x0;
	s3 =	rddreg [dreg:$0x5];
	s15 =	sor.u32 s7, s5  }
0x7: {  	[smem:$0x7FF] =	sst s4;
	s5 =	sshrl.u32 s15, $0x3;
	s18 =	sor.u32 $0x80, s15  }
0x8: {  	_ =	strace $0x80000047;
	s5 =	sadd.s32 s6, s5;
	s30 =	sshrl.u32 s18, $0x3  }
0x9: {  	[tilespmem:s4], [sflag:$0x3] =	stream.linear.gather [hbm4b:s5+s4], $0x80, $0x38;
	[tilespmem:$0x10100] =	vst v63  }
0xa: {  	s8 =	simm.s32 $0x80;
	s7 =	simm.s32 $0x3;
	s6 =	sadd.s32 s6, s30  }
0xb: {  	[tilespmem:s8], [sflag:$0x3] =	stream.linear.gather [hbm4b:s6+s4], $0x80, $0x38;
	[tilespmem:$0x10100] =	vst v63  }
0xc: {  	_ =	swait.ge [sflag:s7], $0x80  }
0xd: {  	[sflag:s7] =	ssyncset.done $0x0  }
0xe: {  	s9 =	simm.s32 $0x100;
	[sflag:s7] =	ssyncadd.s32 $0xFFFFFF80  }
0xf: {  	[tilespmem:s9], [sflag:$0x1] =	stream.indirect.gather [hbm4b:s1+s8], $0x80, s4, s8, $0xb8;
	[tilespmem:$0x10100] =	vst v63  }
0x10: {  	s10 =	simm.s32 $0x4100  }
0x11: {  	[tilespmem:s10], [sflag:$0x1] =	stream.indirect.gather [hbm4b:s2+s8], $0x80, s4, s8, $0xb8;
	[tilespmem:$0x10100] =	vst v63  }
0x12: {  	_ =	swait.ge [sflag:s7], $0x80  }
0x13: {  	[sflag:s7] =	ssyncset.done $0x0  }
0x14: {  	s11 =	simm.s32 $0x8100;
	[sflag:s7] =	ssyncadd.s32 $0xFFFFFF80  }
0x15: {  	[tilespmem:s11], [sflag:$0x2] =	stream.indirect.gather [hbm4b:s1+s8], $0x80, s8, s8, $0xb8;
	[tilespmem:$0x10100] =	vst v63  }
0x16: {  	s12 =	simm.s32 $0xC100;
	s13 =	simm.s32 $0x1  }
0x17: {  	[tilespmem:s12], [sflag:$0x2] =	stream.indirect.gather [hbm4b:s2+s8], $0x80, s8, s8, $0xb8;
	[tilespmem:$0x10100] =	vst v63  }
0x18: {  	_ =	swait.ge [sflag:s13], $0x4000  }
0x19: {  	[sflag:s13] =	ssyncset.done $0x0  }
0x1a: {  	[sflag:s13] =	ssyncadd.s32 $0xFFFFC000  }
0x1b: {  	_ =	swait.ge [sflag:s13], $0x4000  }
0x1c: {  	s15 =	sshll.u32 s15, $0x4;
	[sflag:s13] =	ssyncset.done $0x0  }
0x1d: {  	s20 =	sadd.s32 $0x1A00, s14;
	s14 =	sadd.s32 s17, s15;
	[sflag:s13] =	ssyncadd.s32 $0xFFFFC000  }
0x1e: {  	[hbm4b:s14+s4] =	stream.linear.scatter [tilespmem:s9], [sflag:$0x3], $0x4000, $0x38;
	[tilespmem:$0x10100] =	vst v63  }
0x1f: {  	s16 =	simm.s32 $0x2;
	s15 =	sadd.s32 s20, s15  }
0x20: {  	[hbm4b:s15+s4] =	stream.linear.scatter [tilespmem:s10], [sflag:$0x3], $0x4000, $0x38;
	[tilespmem:$0x10100] =	vst v63  }
0x21: {  	_ =	swait.ge [sflag:s16], $0x4000  }
0x22: {  	[sflag:s16] =	ssyncset.done $0x0  }
0x23: {  	[sflag:s16] =	ssyncadd.s32 $0xFFFFC000  }
0x24: {  	_ =	swait.ge [sflag:s16], $0x4000  }
0x25: {  	s18 =	sshll.u32 s18, $0x4;
	[sflag:s16] =	ssyncset.done $0x0  }
0x26: {  	s17 =	sadd.s32 s17, s18;
	[sflag:s16] =	ssyncadd.s32 $0xFFFFC000  }
0x27: {  	[hbm4b:s17+s4] =	stream.linear.scatter [tilespmem:s11], [sflag:$0x3], $0x4000, $0x38;
	[tilespmem:$0x10100] =	vst v63  }
0x28: {  	s18 =	sadd.s32 s20, s18  }
0x29: {  	[hbm4b:s18+s4] =	stream.linear.scatter [tilespmem:s12], [sflag:$0x3], $0x4000, $0x38;
	[tilespmem:$0x10100] =	vst v63  }
0x2a: {  	_ =	swait.ge [sflag:s7], $0x4000  }
0x2b: {  	s19 =	ssub.s32 $0x2, s19;
	[sflag:s7] =	ssyncset.done $0x0  }
0x2c: {  	s31 =	sshrl.u32 s19, $0x1;
	[sflag:s7] =	ssyncadd.s32 $0xFFFFC000  }
0x2d: {  	s19 =	ssub.s32 s19, s31;
	_ =	swait.ge [sflag:s7], $0x4000  }
0x2e: {  	s19 =	smax.u32 s19, $0x1;
	[sflag:s7] =	ssyncset.done $0x0  }
0x2f: {  	p0 =	sne.s32 s19, $0x1;
	[sflag:s7] =	ssyncadd.s32 $0xFFFFC000  }
.Ltmp0:
0x30: {  	_ =	swait.ge [sflag:s7], $0x4000;
	(pc) =	sbr.rel @!p0 .LBB2_2-.Ltmp0, $4  }
0x31: {  	[sflag:s7] =	ssyncset.done $0x0  }
0x32: {  	[sflag:s7] =	ssyncadd.s32 $0xFFFFC000  }
0x33: {  	_ =	swait.ge [sflag:s7], $0x4000  }
0x34: {  	s19 =	sadd.s32 $0xFFFFFFFF, s19;
	[sflag:s7] =	ssyncset.done $0x0  }
.LBB2_1:
0x35: {  	p0 =	sne.s32 s19, $0x1;
	s19 =	sadd.s32 $0xFFFFFFFF, s19;
	[sflag:s7] =	ssyncadd.s32 $0xFFFFC000  }
0x36: {  	[tilespmem:s4], [sflag:$0x3] =	stream.linear.gather [hbm4b:s5+s4], $0x80, $0x38;
	[tilespmem:$0x10100] =	vst v63  }
0x37: {  	_ = 	snop  }
0x38: {  	[tilespmem:s8], [sflag:$0x3] =	stream.linear.gather [hbm4b:s6+s4], $0x80, $0x38;
	[tilespmem:$0x10100] =	vst v63  }
0x39: {  	_ =	swait.ge [sflag:s7], $0x80  }
0x3a: {  	[sflag:s7] =	ssyncset.done $0x0  }
0x3b: {  	[sflag:s7] =	ssyncadd.s32 $0xFFFFFF80  }
0x3c: {  	[tilespmem:s9], [sflag:$0x1] =	stream.indirect.gather [hbm4b:s1+s8], $0x80, s4, s8, $0xb8;
	[tilespmem:$0x10100] =	vst v63  }
0x3d: {  	_ = 	snop  }
0x3e: {  	[tilespmem:s10], [sflag:$0x1] =	stream.indirect.gather [hbm4b:s2+s8], $0x80, s4, s8, $0xb8;
	[tilespmem:$0x10100] =	vst v63  }
0x3f: {  	_ =	swait.ge [sflag:s7], $0x80  }
0x40: {  	[sflag:s7] =	ssyncset.done $0x0  }
0x41: {  	[sflag:s7] =	ssyncadd.s32 $0xFFFFFF80  }
0x42: {  	[tilespmem:s11], [sflag:$0x2] =	stream.indirect.gather [hbm4b:s1+s8], $0x80, s8, s8, $0xb8;
	[tilespmem:$0x10100] =	vst v63  }
0x43: {  	_ = 	snop  }
0x44: {  	[tilespmem:s12], [sflag:$0x2] =	stream.indirect.gather [hbm4b:s2+s8], $0x80, s8, s8, $0xb8;
	[tilespmem:$0x10100] =	vst v63  }
0x45: {  	_ =	swait.ge [sflag:s13], $0x4000  }
0x46: {  	[sflag:s13] =	ssyncset.done $0x0  }
0x47: {  	[sflag:s13] =	ssyncadd.s32 $0xFFFFC000  }
0x48: {  	_ =	swait.ge [sflag:s13], $0x4000  }
0x49: {  	[sflag:s13] =	ssyncset.done $0x0  }
0x4a: {  	[sflag:s13] =	ssyncadd.s32 $0xFFFFC000  }
0x4b: {  	[hbm4b:s14+s4] =	stream.linear.scatter [tilespmem:s9], [sflag:$0x3], $0x4000, $0x38;
	[tilespmem:$0x10100] =	vst v63  }
0x4c: {  	_ = 	snop  }
0x4d: {  	[hbm4b:s15+s4] =	stream.linear.scatter [tilespmem:s10], [sflag:$0x3], $0x4000, $0x38;
	[tilespmem:$0x10100] =	vst v63  }
0x4e: {  	_ =	swait.ge [sflag:s16], $0x4000  }
0x4f: {  	[sflag:s16] =	ssyncset.done $0x0  }
0x50: {  	[sflag:s16] =	ssyncadd.s32 $0xFFFFC000  }
0x51: {  	_ =	swait.ge [sflag:s16], $0x4000  }
0x52: {  	[sflag:s16] =	ssyncset.done $0x0  }
0x53: {  	[sflag:s16] =	ssyncadd.s32 $0xFFFFC000  }
0x54: {  	[hbm4b:s17+s4] =	stream.linear.scatter [tilespmem:s11], [sflag:$0x3], $0x4000, $0x38;
	[tilespmem:$0x10100] =	vst v63  }
0x55: {  	_ = 	snop  }
0x56: {  	[hbm4b:s18+s4] =	stream.linear.scatter [tilespmem:s12], [sflag:$0x3], $0x4000, $0x38;
	[tilespmem:$0x10100] =	vst v63  }
0x57: {  	_ =	swait.ge [sflag:s7], $0x4000  }
0x58: {  	[sflag:s7] =	ssyncset.done $0x0  }
0x59: {  	[sflag:s7] =	ssyncadd.s32 $0xFFFFC000  }
0x5a: {  	_ =	swait.ge [sflag:s7], $0x4000  }
0x5b: {  	[sflag:s7] =	ssyncset.done $0x0  }
0x5c: {  	[sflag:s7] =	ssyncadd.s32 $0xFFFFC000  }
.Ltmp1:
0x5d: {  	_ =	swait.ge [sflag:s7], $0x4000;
	(pc) =	sbr.rel @p0 .LBB2_1-.Ltmp1, $4  }
0x5e: {  	[sflag:s7] =	ssyncset.done $0x0  }
0x5f: {  	[sflag:s7] =	ssyncadd.s32 $0xFFFFC000  }
0x60: {  	_ =	swait.ge [sflag:s7], $0x4000  }
0x61: {  	[sflag:s7] =	ssyncset.done $0x0  }
.LBB2_2:
0x62: {  	[sflag:s7] =	ssyncadd.s32 $0xFFFFC000  }
0x63: {  	_ =	sfence.sel $0x180000  }
0x64: {  	[bflag:$0x0] =	sbarrier.arrive $0xFFFF  }
0x65: {  	p0 =	sne.s32 s0, $0x0;
	_ =	strace $0x90000047  }
0x66: {  	s0 =	sadd.s32 @!p0 $0x100000, s3;
	[bflag:$0x2] =	sbarrier.arrive $0xFFFF  }
0x67: {  	[sflag:s0] =	ssyncadd.tile.s32 @!p0 $0x1;
	_ =	shalt  }
.Lfunc_end2:
_tile_overlayer_lowered:
.L_overlay_start_2:
0x68: {  	(tag) =	ssettag $0x2  }
0x69: {  	s0 =	rddreg [dreg:$0x0];
	s2 =	stileid.u32  }
0x6a: {  	s1 =	rddreg [dreg:$0x1];
	p0 =	sne.s32 s2, $0x0  }
0x6b: {  	s3 =	rddreg [dreg:$0x2];
	[bflag:$0x3] =	sbarrier.arrive $0xFFFF;
	s2 =	simm.s32 @!p0 $0x1C04  }
0x6c: {  	[timem:s3], [sflag:s2] =	dma.local @!p0 [hbm:s0], s1  }
0x6d: {  	s0 =	simm.s32 @!p0 $0x4  }
0x6e: {  	_ =	swait.ge @!p0 [sflag:s0], s1  }
0x6f: {  	s1 =	ssub.s32 @!p0 $0x0, s1;
	[sflag:s0] =	ssyncset.done @!p0 $0x0  }
0x70: {  	[sflag:s0] =	ssyncadd.s32 @!p0 s1  }
0x71: {  	[bflag:$0x3] =	sbarrier.arrive $0xFFFF  }
0x72: {  	_ =	shalt  }

// kernel: kernel.9.cloned.1.call-start
scs
__scs_entry_jumppad:
0x0: {  	(pc) =	sbr.rel $0x88, $3  }
0x1: {  	(tag) =	ssettag $0x0;
	lr =	simm.s32 $0x1  }
0x2: {  	[smem:$0x3F9D] =	sst lr;
	_ =	strace $0xD0000000  }
0x3: {  	_ = 	snop  }
0x4: {  	_ = 	snop  }
0x5: {  	_ = 	snop  }
0x6: {  	_ = 	snop  }
0x7: {  	_ = 	snop  }
__scs_overlays_trampoline_lowered:
0x8: {  	[smem:$0x3FAC] =	sst s0  }
0x9: {  	[smem:$0x3FAD] =	sst s1  }
0xa: {  	[smem:$0x3FAE] =	sst s2  }
0xb: {  	[smem:$0x3FAF] =	sst s3  }
0xc: {  	[smem:$0x3FB0] =	sst s4  }
0xd: {  	[smem:$0x3FB1] =	sst s5  }
0xe: {  	[smem:$0x3FB2] =	sst s6  }
0xf: {  	[smem:$0x3FB3] =	sst s7  }
0x10: {  	[smem:$0x3FB4] =	sst s8  }
0x11: {  	[smem:$0x3FB5] =	sst s9;
	s0 =	simm.s32 @!p0 $0x0  }
0x12: {  	s1 =	sld [smem:$0x3F9B];
	s0 =	simm.s32 @p0 $0x1  }
0x13: {  	[smem:$0x3FB6] =	sst s0;
	s0 =	simm.s32 @!p1 $0x0  }
0x14: {  	s2 =	sld [smem:$0x3F9A];
	s0 =	simm.s32 @p1 $0x1  }
0x15: {  	[smem:$0x3FB7] =	sst s0;
	s0 =	simm.s32 @!p2 $0x0  }
0x16: {  	s3 =	sld [smem:$0x3FDB];
	s0 =	simm.s32 @p2 $0x1  }
0x17: {  	s4 =	simm.s32 $0x1BF5;
	[smem:$0x3FB9] =	sst s0  }
0x18: {  	s0 =	sld [smem:$0x3F9C];
	_ =	swait.ge [sflag:s4], $0x0  }
0x19: {  	s7 =	sld [smem:$0x3F9D]  }
0x1a: {  	s8 =	sadd.s32 $0xFFFFE003, lr  }
0x1b: {  	s9 =	sadd.s32 $0xFFFFFEF7, lr;
	s5 =	simm.s32 $0xFFFFFFFF;
	p2 =	slt.u32 s8, $0xFFFFF086  }
0x1c: {  	p1 =	slt.u32 s9, $0xF7A;
	s5 =	simm.s32 @!p2 $0x0  }
0x1d: {  	s5 =	simm.s32 @p1 $0x1;
	p0 =	seq.s32 s7, s2  }
0x1e: {  	s7 =	smul.u32 @!p0 $0xF7A, s2;
	p2 =	seq.s32 @!p0 s5, $0x0  }
0x1f: {  	s9 =	smul.u32 $0xF7A, s1;
	s8 =	simm.s32 @!p0 $0x1BF5;
	p2 =	por !p2, p0  }
0x20: {  	[sflag:s8] =	ssyncset.s32 @!p0 $0xFFFFF086;
	s6 =	sadd.s32 @!p0 s3, s7;
	s7 =	simm.s32 @!p0 $0x108  }
0x21: {  	s3 =	sadd.s32 s3, s9;
	s6 =	sadd.s32 @!p0 $0x88, s6;
	s7 =	simm.s32 @p2 $0x1082  }
0x22: {  	[simem:s7], [sflag:s8] =	dma.local @!p0 [hbm:s6], $0xF7A  }
0x23: {  	s9 =	sor.u32 $0xD0000000, s2;
	s6 =	simm.s32 $0x108;
	_ =	swait.ge @!p0 [sflag:s8], $0x0  }
0x24: {  	s3 =	sadd.s32 $0x88, s3;
	s6 =	simm.s32 @!p1 $0x1082;
	[sflag:s4] =	ssyncset.s32 $0xFFFFF086  }
0x25: {  	[simem:s6], [sflag:s4] =	dma.local [hbm:s3], $0xF7A  }
0x26: {  	[smem:$0x3F9D] =	sst s1;
	(tag) =	ssettag s2;
	_ =	strace s9  }
0x27: {  	s1 =	sld [smem:$0x3FAD]  }
0x28: {  	s2 =	sld [smem:$0x3FAE]  }
0x29: {  	s4 =	sld [smem:$0x3FB0]  }
0x2a: {  	p0 =	seq.s32 s5, $0x0;
	s5 =	sld [smem:$0x3FB1]  }
0x2b: {  	s6 =	sld [smem:$0x3FB2]  }
0x2c: {  	s7 =	sld [smem:$0x3FB3]  }
0x2d: {  	s3 =	simm.s32 $0x108;
	s8 =	sld [smem:$0x3FB4]  }
0x2e: {  	s3 =	simm.s32 @!p0 $0x1082;
	s9 =	sld [smem:$0x3FB5]  }
0x2f: {  	lr =	sadd.s32 s0, s3;
	s0 =	sld [smem:$0x3FAC]  }
0x30: {  	s3 =	sld [smem:$0x3FAF]  }
0x31: {  	[smem:$0x3FB8] =	sst s10  }
0x32: {  	s10 =	sld [smem:$0x3FB6];
	_ =	sdelay $0x3  }
0x33: {  	p0 =	seq.s32 s10, $0x1;
	s10 =	sld [smem:$0x3FB8];
	_ =	sdelay $0x3  }
0x34: {  	[smem:$0x3FB8] =	sst s10  }
0x35: {  	s10 =	sld [smem:$0x3FB7];
	_ =	sdelay $0x3  }
0x36: {  	p1 =	seq.s32 s10, $0x1;
	s10 =	sld [smem:$0x3FB8];
	_ =	sdelay $0x3  }
0x37: {  	[smem:$0x3FB8] =	sst s10  }
0x38: {  	s10 =	sld [smem:$0x3FB9]  }
0x39: {  	_ = 	snop;
	(pc) =	sbr.ind lr, $3  }
0x3a: {  	_ = 	snop  }
0x3b: {  	_ = 	snop  }
0x3c: {  	p2 =	seq.s32 s10, $0x1;
	s10 =	sld [smem:$0x3FB8]  }
0x3d: {  	_ =	shalt  }
0x3e: {  	_ =	shalt  }
0x3f: {  	_ =	shalt  }
0x40: {  	_ =	shalt  }
0x41: {  	_ =	shalt  }
0x42: {  	_ =	shalt  }
0x43: {  	_ =	shalt  }
0x44: {  	_ =	shalt  }
0x45: {  	_ =	shalt  }
0x46: {  	_ =	shalt  }
0x47: {  	_ =	shalt  }
0x48: {  	_ =	shalt  }
0x49: {  	_ =	shalt  }
0x4a: {  	_ =	shalt  }
0x4b: {  	_ =	shalt  }
0x4c: {  	_ =	shalt  }
0x4d: {  	_ =	shalt  }
0x4e: {  	_ =	shalt  }
0x4f: {  	_ =	shalt  }
0x50: {  	_ =	shalt  }
0x51: {  	_ =	shalt  }
0x52: {  	_ =	shalt  }
0x53: {  	_ =	shalt  }
0x54: {  	_ =	shalt  }
0x55: {  	_ =	shalt  }
0x56: {  	_ =	shalt  }
0x57: {  	_ =	shalt  }
0x58: {  	_ =	shalt  }
0x59: {  	_ =	shalt  }
0x5a: {  	_ =	shalt  }
0x5b: {  	_ =	shalt  }
0x5c: {  	_ =	shalt  }
0x5d: {  	_ =	shalt  }
0x5e: {  	_ =	shalt  }
0x5f: {  	_ =	shalt  }
0x60: {  	_ =	shalt  }
0x61: {  	_ =	shalt  }
0x62: {  	_ =	shalt  }
0x63: {  	_ =	shalt  }
0x64: {  	_ =	shalt  }
0x65: {  	_ =	shalt  }
0x66: {  	_ =	shalt  }
0x67: {  	_ =	shalt  }
0x68: {  	_ =	shalt  }
0x69: {  	_ =	shalt  }
0x6a: {  	_ =	shalt  }
0x6b: {  	_ =	shalt  }
0x6c: {  	_ =	shalt  }
0x6d: {  	_ =	shalt  }
0x6e: {  	_ =	shalt  }
0x6f: {  	_ =	shalt  }
0x70: {  	_ =	shalt  }
0x71: {  	_ =	shalt  }
0x72: {  	_ =	shalt  }
0x73: {  	_ =	shalt  }
0x74: {  	_ =	shalt  }
0x75: {  	_ =	shalt  }
0x76: {  	_ =	shalt  }
0x77: {  	_ =	shalt  }
0x78: {  	_ =	shalt  }
0x79: {  	_ =	shalt  }
0x7a: {  	_ =	shalt  }
0x7b: {  	_ =	shalt  }
0x7c: {  	_ =	shalt  }
0x7d: {  	_ =	shalt  }
0x7e: {  	_ =	shalt  }
0x7f: {  	_ =	shalt  }
0x80: {  	_ =	shalt  }
0x81: {  	_ =	shalt  }
0x82: {  	_ =	shalt  }
0x83: {  	_ =	shalt  }
0x84: {  	_ =	shalt  }
0x85: {  	_ =	shalt  }
0x86: {  	_ =	shalt  }
0x87: {  	_ =	shalt  }
.Lfunc_end0:
.L_simem_size_0:
called_computation.1_lowered:
.L_overlay_start_0:
0x88: {  	s2 =	sld [smem:$0x3FD9]  }
0x89: {  	s3 =	sld [smem:$0x3FFE];
	_ =	sdelay $0x1  }
0x8a: {  	s1 =	srdreg.scid  }
0x8b: {  	s0 =	sand.u32 $0x1, s1  }
0x8c: {  	s17 =	sshll.u32 s0, $0xA;
	s2 =	sadd.s32 s3, s2  }
0x8d: {  	s2 =	sadd.s32 s2, s17  }
0x8e: {  	[smem:$0x3FC4] =	sst s2  }
0x8f: {  	_ = 	snop  }
0x90: {  	s18 =	sld [smem:$0x3FC8]  }
0x91: {  	s4 =	sld [smem:$0x3FC7]  }
0x92: {  	s5 =	sld [smem:$0x3FC6];
	(tm) =	ssettm $0x1  }
0x93: {  	s19 =	sld [smem:$0x3FFB];
	_ =	sdelay $0x3  }
0x94: {  	_ =	strace s19  }
0x95: {  	s2 =	sld [smem:$0x3FFC];
	_ =	sdelay $0x3  }
0x96: {  	_ =	strace s2  }
0x97: {  	s2 =	sld [smem:$0x3FFD];
	_ =	sdelay $0x3  }
0x98: {  	_ =	strace s2  }
0x99: {  	_ =	strace $0x8FFFFFFF  }
0x9a: {  	s20 =	sld [smem:$0x3FDB];
	_ =	sdelay $0x1  }
0x9b: {  	s6 =	simm.s32 $_scs_section_size  }
0x9c: {  	s7 =	simm.s32 $_size__tile_overlayer_lowered;
	s8 =	simm.s32 $_tile_overlayer_lowered  }
0x9d: {  	s9 =	simm.s32 $0x1BFF;
	s21 =	sshll.u32 s8, $0x1;
	s6 =	sadd.s32 s6, s20  }
0x9e: {  	s22 =	simm.s32 $0x0;
	s7 =	sshll.u32 s7, $0x1;
	s8 =	sadd.s32 s21, s6  }
0x9f: {  	[timem:s22], [sflag:s9] =	dma.local [hbm:s8], s7  }
0xa0: {  	_ =	swait.ge [sflag:s9], s7  }
0xa1: {  	s7 =	ssub.s32 $0x0, s7;
	[sflag:s9] =	ssyncset.done $0x0  }
0xa2: {  	[sflag:s9] =	ssyncadd.s32 s7;
	_ =	sdelay $0x1  }
0xa3: {  	s23 =	simm.s32 $0x1B8B  }
0xa4: {  	_ =	swait.ge [sflag:s23], $0x1  }
0xa5: {  	[sflag:s23] =	ssyncset.done $0x0  }
0xa6: {  	[sflag:s23] =	ssyncadd.s32 $0xFFFFFFFF  }
0xa7: {  	s7 =	sld [smem:$0x0]  }
0xa8: {  	s8 =	sand.u32 $0xFFFFFFFE, s1  }
0xa9: {  	p0 =	sne.s32 s1, s8  }
0xaa: {  	s8 =	sshll.u32 @p0 s8, $0xE  }
0xab: {  	s8 =	sadd.s32 @p0 $0x11B8D, s8;
	s9 =	sshll.u32 @p0 s7, $0x11  }
0xac: {  	s8 =	sor.u32 @p0 s9, s8  }
0xad: {  	[sflag:s8] =	ssyncadd.remote.s32 @p0 $0x1;
	_ =	sdelay $0x1  }
0xae: {  	s8 =	simm.s32 @p0 $0x1B8D  }
0xaf: {  	_ =	swait.eq @p0 [sflag:s8], $0x1  }
0xb0: {  	[sflag:s8] =	ssyncadd.s32 @p0 $0xFFFFFFFF  }
0xb1: {  	s9 =	sshll.u32 @!p0 s1, $0xE  }
0xb2: {  	s9 =	sor.u32 @!p0 $0x4000, s9;
	s8 =	simm.s32 @!p0 $0x1B8D  }
0xb3: {  	s7 =	sshll.u32 @!p0 s7, $0x11;
	s9 =	sadd.s32 @!p0 $0x11B8D, s9;
	_ =	swait.eq @!p0 [sflag:s8], $0x1  }
0xb4: {  	s7 =	sor.u32 @!p0 s7, s9;
	[sflag:s8] =	ssyncadd.s32 @!p0 $0xFFFFFFFF  }
0xb5: {  	s25 =	simm.s32 $0x1B8E;
	s24 =	sld [smem:$0x3FFE];
	[sflag:s7] =	ssyncadd.remote.s32 @!p0 $0x1  }
0xb6: {  	s26 =	simm.s32 $execute0_lowered;
	[smem:$0x3FD2] =	sst s25  }
0xb7: {  	s8 =	sshll.u32 s26, $0x1;
	_ =	strace $0x80000049;
	[dreg:$0x1] =	wrdreg $0xFFFFFFFF  }
0xb8: {  	s28 =	simm.s32 $_size_execute0_lowered;
	s6 =	sadd.s32 s6, s8;
	[dreg:$0x0] =	wrdreg $0x0  }
0xb9: {  	s8 =	sshll.u32 s28, $0x1;
	[dreg:$0x2] =	wrdreg s6  }
0xba: {  	[dreg:$0x3] =	wrdreg s8  }
0xbb: {  	[dreg:$0x4] =	wrdreg $0xC0  }
0xbc: {  	_ =	task [dreg:s22], $0x5FFFF  }
0xbd: {  	[dreg:$0x1] =	wrdreg $0xFFFFFFFF  }
0xbe: {  	[dreg:$0x0] =	wrdreg $0x60  }
0xbf: {  	[dreg:$0x2] =	wrdreg s18  }
0xc0: {  	[dreg:$0x3] =	wrdreg s4  }
0xc1: {  	[dreg:$0x4] =	wrdreg s5  }
0xc2: {  	[dreg:$0x5] =	wrdreg s24  }
0xc3: {  	[dreg:$0x6] =	wrdreg $0xA  }
0xc4: {  	_ =	task.clear_ibuf [dreg:s22], $0x7FFFF;
	_ =	strace $0x90000049  }
0xc5: {  	s29 =	simm.s32 $0xA;
	_ =	strace $0x8000004B  }
0xc6: {  	_ =	swait.ge [sflag:s29], $0x1  }
0xc7: {  	[sflag:s29] =	ssyncadd.s32 $0xFFFFFFFF  }
0xc8: {  	_ =	strace $0x9000004B  }
0xc9: {  	_ =	sfence  }
0xca: {  	s30 =	sld [smem:$0x0];
	_ =	sdelay $0x2  }
0xcb: {  	s31 =	sshll.u32 s1, $0xD;
	s1 =	sshrl.u32 s1, $0x2  }
0xcc: {  	s4 =	sand.u32 $0x4000, s31;
	s1 =	sadd.s32 s1, s30  }
0xcd: {  	s0 =	sor.u32 s4, s0;
	s1 =	sshll.u32 s1, $0x11  }
0xce: {  	s0 =	sor.u32 s1, s0  }
0xcf: {  	s0 =	sadd.s32 $0x8F2B, s0  }
0xd0: {  	[sflag:s0] =	ssyncadd.remote.s32 $0x1  }
0xd1: {  	_ =	sfence.sel $0xFFFF  }
0xd2: {  	[dreg:$0x0] =	wrdreg $0xFFFFFFFF;
	(pc) =	sbr.abs _section_cstart, $3  }
0xd3: {  	[dreg:$0x1] =	wrdreg $0xFFFFFFFF  }
0xd4: {  	_ =	task.clear_ibuf [dreg:s22], $0x2FFFF;
	_ =	strace $0x9FFFFFFF  }
0xd5: {  	(tm) =	ssettm $0x7FFFFFFF  }
tec
execute0_lowered:
.L_overlay_start_1:
0x0: {  	(tag) =	ssettag $0x1  }
0x1: {  	s2 =	srdreg.scid  }
0x2: {  	s5 =	rddreg [dreg:$0x0];
	s0 =	stileid.u32;
	s19 =	sand.u32 $0x1, s2  }
0x3: {  	s1 =	rddreg [dreg:$0x1];
	s30 =	sshll.u32 s0, $0x9;
	s4 =	sshll.u32 s19, $0x8  }
0x4: {  	s3 =	rddreg [dreg:$0x2];
	s15 =	sor.u32 s4, s30  }
0x5: {  	s14 =	rddreg [dreg:$0x3];
	s4 =	simm.s32 $0x0;
	s6 =	sshrl.u32 s15, $0x3  }
0x6: {  	[smem:$0x7FF] =	sst s4;
	s6 =	sadd.s32 s6, s5  }
0x7: {  	s2 =	rddreg [dreg:$0x4];
	_ =	strace $0x8000004A;
	s5 =	sadd.s32 $0x400, s6  }
0x8: {  	[tilespmem:s4], [sflag:$0x3] =	stream.linear.gather [hbm4b:s5+s4], $0x80, $0x38;
	[tilespmem:$0x10100] =	vst v63  }
0x9: {  	s8 =	simm.s32 $0x80;
	s7 =	simm.s32 $0x3;
	s6 =	sadd.s32 $0x410, s6  }
0xa: {  	[tilespmem:s8], [sflag:$0x3] =	stream.linear.gather [hbm4b:s6+s4], $0x80, $0x38;
	[tilespmem:$0x10100] =	vst v63  }
0xb: {  	_ =	swait.ge [sflag:s7], $0x80  }
0xc: {  	[sflag:s7] =	ssyncset.done $0x0  }
0xd: {  	s9 =	simm.s32 $0x100;
	[sflag:s7] =	ssyncadd.s32 $0xFFFFFF80  }
0xe: {  	[tilespmem:s9], [sflag:$0x1] =	stream.indirect.gather [hbm4b:s1+s8], $0x80, s4, s8, $0xb8;
	[tilespmem:$0x10100] =	vst v63  }
0xf: {  	s10 =	simm.s32 $0x4100  }
0x10: {  	[tilespmem:s10], [sflag:$0x1] =	stream.indirect.gather [hbm4b:s3+s8], $0x80, s4, s8, $0xb8;
	[tilespmem:$0x10100] =	vst v63  }
0x11: {  	_ =	swait.ge [sflag:s7], $0x80  }
0x12: {  	[sflag:s7] =	ssyncset.done $0x0  }
0x13: {  	s11 =	simm.s32 $0x8100;
	[sflag:s7] =	ssyncadd.s32 $0xFFFFFF80  }
0x14: {  	[tilespmem:s11], [sflag:$0x2] =	stream.indirect.gather [hbm4b:s1+s8], $0x80, s8, s8, $0xb8;
	[tilespmem:$0x10100] =	vst v63  }
0x15: {  	s12 =	simm.s32 $0xC100;
	s13 =	simm.s32 $0x1  }
0x16: {  	[tilespmem:s12], [sflag:$0x2] =	stream.indirect.gather [hbm4b:s3+s8], $0x80, s8, s8, $0xb8;
	[tilespmem:$0x10100] =	vst v63  }
0x17: {  	_ =	swait.ge [sflag:s13], $0x4000  }
0x18: {  	[sflag:s13] =	ssyncset.done $0x0  }
0x19: {  	[sflag:s13] =	ssyncadd.s32 $0xFFFFC000  }
0x1a: {  	_ =	swait.ge [sflag:s13], $0x4000  }
0x1b: {  	s17 =	sadd.s32 $0x21A00, s14;
	s18 =	sshll.u32 s15, $0x4;
	[sflag:s13] =	ssyncset.done $0x0  }
0x1c: {  	s20 =	sadd.s32 $0x41A00, s14;
	s14 =	sadd.s32 s17, s18;
	[sflag:s13] =	ssyncadd.s32 $0xFFFFC000  }
0x1d: {  	[hbm4b:s14+s4] =	stream.linear.scatter [tilespmem:s9], [sflag:$0x3], $0x4000, $0x38;
	[tilespmem:$0x10100] =	vst v63  }
0x1e: {  	s16 =	simm.s32 $0x2;
	s15 =	sadd.s32 s20, s18  }
0x1f: {  	[hbm4b:s15+s4] =	stream.linear.scatter [tilespmem:s10], [sflag:$0x3], $0x4000, $0x38;
	[tilespmem:$0x10100] =	vst v63  }
0x20: {  	_ =	swait.ge [sflag:s16], $0x4000  }
0x21: {  	[sflag:s16] =	ssyncset.done $0x0  }
0x22: {  	[sflag:s16] =	ssyncadd.s32 $0xFFFFC000  }
0x23: {  	_ =	swait.ge [sflag:s16], $0x4000  }
0x24: {  	s18 =	sor.u32 $0x800, s18;
	[sflag:s16] =	ssyncset.done $0x0  }
0x25: {  	s17 =	sadd.s32 s17, s18;
	[sflag:s16] =	ssyncadd.s32 $0xFFFFC000  }
0x26: {  	[hbm4b:s17+s4] =	stream.linear.scatter [tilespmem:s11], [sflag:$0x3], $0x4000, $0x38;
	[tilespmem:$0x10100] =	vst v63  }
0x27: {  	s18 =	sadd.s32 s20, s18  }
0x28: {  	[hbm4b:s18+s4] =	stream.linear.scatter [tilespmem:s12], [sflag:$0x3], $0x4000, $0x38;
	[tilespmem:$0x10100] =	vst v63  }
0x29: {  	_ =	swait.ge [sflag:s7], $0x4000  }
0x2a: {  	s19 =	ssub.s32 $0x2, s19;
	[sflag:s7] =	ssyncset.done $0x0  }
0x2b: {  	s31 =	sshrl.u32 s19, $0x1;
	[sflag:s7] =	ssyncadd.s32 $0xFFFFC000  }
0x2c: {  	s19 =	ssub.s32 s19, s31;
	_ =	swait.ge [sflag:s7], $0x4000  }
0x2d: {  	s19 =	smax.u32 s19, $0x1;
	[sflag:s7] =	ssyncset.done $0x0  }
0x2e: {  	p0 =	sne.s32 s19, $0x1;
	[sflag:s7] =	ssyncadd.s32 $0xFFFFC000  }
.Ltmp0:
0x2f: {  	_ =	swait.ge [sflag:s7], $0x4000;
	(pc) =	sbr.rel @!p0 .LBB2_2-.Ltmp0, $4  }
0x30: {  	[sflag:s7] =	ssyncset.done $0x0  }
0x31: {  	[sflag:s7] =	ssyncadd.s32 $0xFFFFC000  }
0x32: {  	_ =	swait.ge [sflag:s7], $0x4000  }
0x33: {  	s19 =	sadd.s32 $0xFFFFFFFF, s19;
	[sflag:s7] =	ssyncset.done $0x0  }
.LBB2_1:
0x34: {  	p0 =	sne.s32 s19, $0x1;
	s19 =	sadd.s32 $0xFFFFFFFF, s19;
	[sflag:s7] =	ssyncadd.s32 $0xFFFFC000  }
0x35: {  	[tilespmem:s4], [sflag:$0x3] =	stream.linear.gather [hbm4b:s5+s4], $0x80, $0x38;
	[tilespmem:$0x10100] =	vst v63  }
0x36: {  	_ = 	snop  }
0x37: {  	[tilespmem:s8], [sflag:$0x3] =	stream.linear.gather [hbm4b:s6+s4], $0x80, $0x38;
	[tilespmem:$0x10100] =	vst v63  }
0x38: {  	_ =	swait.ge [sflag:s7], $0x80  }
0x39: {  	[sflag:s7] =	ssyncset.done $0x0  }
0x3a: {  	[sflag:s7] =	ssyncadd.s32 $0xFFFFFF80  }
0x3b: {  	[tilespmem:s9], [sflag:$0x1] =	stream.indirect.gather [hbm4b:s1+s8], $0x80, s4, s8, $0xb8;
	[tilespmem:$0x10100] =	vst v63  }
0x3c: {  	_ = 	snop  }
0x3d: {  	[tilespmem:s10], [sflag:$0x1] =	stream.indirect.gather [hbm4b:s3+s8], $0x80, s4, s8, $0xb8;
	[tilespmem:$0x10100] =	vst v63  }
0x3e: {  	_ =	swait.ge [sflag:s7], $0x80  }
0x3f: {  	[sflag:s7] =	ssyncset.done $0x0  }
0x40: {  	[sflag:s7] =	ssyncadd.s32 $0xFFFFFF80  }
0x41: {  	[tilespmem:s11], [sflag:$0x2] =	stream.indirect.gather [hbm4b:s1+s8], $0x80, s8, s8, $0xb8;
	[tilespmem:$0x10100] =	vst v63  }
0x42: {  	_ = 	snop  }
0x43: {  	[tilespmem:s12], [sflag:$0x2] =	stream.indirect.gather [hbm4b:s3+s8], $0x80, s8, s8, $0xb8;
	[tilespmem:$0x10100] =	vst v63  }
0x44: {  	_ =	swait.ge [sflag:s13], $0x4000  }
0x45: {  	[sflag:s13] =	ssyncset.done $0x0  }
0x46: {  	[sflag:s13] =	ssyncadd.s32 $0xFFFFC000  }
0x47: {  	_ =	swait.ge [sflag:s13], $0x4000  }
0x48: {  	[sflag:s13] =	ssyncset.done $0x0  }
0x49: {  	[sflag:s13] =	ssyncadd.s32 $0xFFFFC000  }
0x4a: {  	[hbm4b:s14+s4] =	stream.linear.scatter [tilespmem:s9], [sflag:$0x3], $0x4000, $0x38;
	[tilespmem:$0x10100] =	vst v63  }
0x4b: {  	_ = 	snop  }
0x4c: {  	[hbm4b:s15+s4] =	stream.linear.scatter [tilespmem:s10], [sflag:$0x3], $0x4000, $0x38;
	[tilespmem:$0x10100] =	vst v63  }
0x4d: {  	_ =	swait.ge [sflag:s16], $0x4000  }
0x4e: {  	[sflag:s16] =	ssyncset.done $0x0  }
0x4f: {  	[sflag:s16] =	ssyncadd.s32 $0xFFFFC000  }
0x50: {  	_ =	swait.ge [sflag:s16], $0x4000  }
0x51: {  	[sflag:s16] =	ssyncset.done $0x0  }
0x52: {  	[sflag:s16] =	ssyncadd.s32 $0xFFFFC000  }
0x53: {  	[hbm4b:s17+s4] =	stream.linear.scatter [tilespmem:s11], [sflag:$0x3], $0x4000, $0x38;
	[tilespmem:$0x10100] =	vst v63  }
0x54: {  	_ = 	snop  }
0x55: {  	[hbm4b:s18+s4] =	stream.linear.scatter [tilespmem:s12], [sflag:$0x3], $0x4000, $0x38;
	[tilespmem:$0x10100] =	vst v63  }
0x56: {  	_ =	swait.ge [sflag:s7], $0x4000  }
0x57: {  	[sflag:s7] =	ssyncset.done $0x0  }
0x58: {  	[sflag:s7] =	ssyncadd.s32 $0xFFFFC000  }
0x59: {  	_ =	swait.ge [sflag:s7], $0x4000  }
0x5a: {  	[sflag:s7] =	ssyncset.done $0x0  }
0x5b: {  	[sflag:s7] =	ssyncadd.s32 $0xFFFFC000  }
.Ltmp1:
0x5c: {  	_ =	swait.ge [sflag:s7], $0x4000;
	(pc) =	sbr.rel @p0 .LBB2_1-.Ltmp1, $4  }
0x5d: {  	[sflag:s7] =	ssyncset.done $0x0  }
0x5e: {  	[sflag:s7] =	ssyncadd.s32 $0xFFFFC000  }
0x5f: {  	_ =	swait.ge [sflag:s7], $0x4000  }
0x60: {  	[sflag:s7] =	ssyncset.done $0x0  }
.LBB2_2:
0x61: {  	[sflag:s7] =	ssyncadd.s32 $0xFFFFC000  }
0x62: {  	_ =	sfence.sel $0x180000  }
0x63: {  	[bflag:$0x0] =	sbarrier.arrive $0xFFFF  }
0x64: {  	p0 =	sne.s32 s0, $0x0;
	_ =	strace $0x9000004A  }
0x65: {  	s0 =	sadd.s32 @!p0 $0x100000, s2;
	[bflag:$0x2] =	sbarrier.arrive $0xFFFF  }
0x66: {  	[sflag:s0] =	ssyncadd.tile.s32 @!p0 $0x1;
	_ =	shalt  }
.Lfunc_end2:
_tile_overlayer_lowered:
.L_overlay_start_2:
0x67: {  	(tag) =	ssettag $0x2  }
0x68: {  	s0 =	rddreg [dreg:$0x0];
	s2 =	stileid.u32  }
0x69: {  	s1 =	rddreg [dreg:$0x1];
	p0 =	sne.s32 s2, $0x0  }
0x6a: {  	s3 =	rddreg [dreg:$0x2];
	[bflag:$0x3] =	sbarrier.arrive $0xFFFF;
	s2 =	simm.s32 @!p0 $0x1C04  }
0x6b: {  	[timem:s3], [sflag:s2] =	dma.local @!p0 [hbm:s0], s1  }
0x6c: {  	s0 =	simm.s32 @!p0 $0x4  }
0x6d: {  	_ =	swait.ge @!p0 [sflag:s0], s1  }
0x6e: {  	s1 =	ssub.s32 @!p0 $0x0, s1;
	[sflag:s0] =	ssyncset.done @!p0 $0x0  }
0x6f: {  	[sflag:s0] =	ssyncadd.s32 @!p0 s1  }
0x70: {  	[bflag:$0x3] =	sbarrier.arrive $0xFFFF  }
0x71: {  	_ =	shalt  }

</sc_bundles>
